<compile_context>
chip_gen: v7x
topology: tpu7x:2x2x1
jax: 0.10.2.dev20260603
libtpu: 0.0.44.dev20260713+nightly
codegen_flags: <defaults>
</compile_context>

<pallas_src>
import jax
import jax.numpy as jnp
from jax import lax
from jax.experimental import pallas as pl
from jax.experimental.pallas import tpu as pltpu
from jax.experimental.pallas import tpu_sc as plsc

N = 10000
NP = 10000
E = 320000
D = 128

NC = 2
NS = 16
NW = NC * NS
EPW = E // NW
CHUNK = 80
NCHUNK = EPW // CHUNK
RPS = NP // NS
CW = 16
CHUNKC = 125
NCHUNKC = EPW // CHUNKC

_MESH = plsc.VectorSubcoreMesh(
    core_axis_name="c", subcore_axis_name="s", num_cores=NC)


def _segsum_body(feat, srcs, dsts, zfeat, out_sum, srcv, dstv, rows, acc, sem):
    c = lax.axis_index("c")
    s = lax.axis_index("s")
    wid = c * NS + s
    cp_s = pltpu.async_copy(srcs.at[wid], srcv, sem)
    cp_d = pltpu.async_copy(dsts.at[wid], dstv, sem)
    cp_z = pltpu.async_copy(zfeat, acc.at[pl.ds(s * RPS, RPS)], sem)
    cp_s.wait()
    cp_d.wait()
    cp_z.wait()
    plsc.subcore_barrier()

    def step(j, carry):
        @pl.when(j < NCHUNK)
        def _():
            pltpu.async_copy(feat.at[srcv.at[j]], rows.at[j % 3], sem)

        @pl.when(j >= 2)
        def _():
            jm = j - 2
            pltpu.make_async_copy(
                feat.at[srcv.at[jm]], rows.at[jm % 3], sem).wait()
            pltpu.sync_copy(rows.at[jm % 3], acc.at[dstv.at[jm]], add=True)
        return carry

    lax.fori_loop(0, NCHUNK + 2, step, 0)
    plsc.subcore_barrier()
    pltpu.sync_copy(acc.at[pl.ds(s * RPS, RPS)],
                    out_sum.at[c, pl.ds(s * RPS, RPS)])


_segsum = pl.kernel(
    _segsum_body,
    out_type=jax.ShapeDtypeStruct((NC, NP, D), jnp.float32),
    mesh=_MESH,
    scratch_types=[
        pltpu.VMEM((NCHUNK, CHUNK), jnp.int32),
        pltpu.VMEM((NCHUNK, CHUNK), jnp.int32),
        pltpu.VMEM((3, CHUNK, D), jnp.float32),
        pltpu.VMEM_SHARED((NP, D), jnp.float32),
        pltpu.SemaphoreType.DMA,
    ],
    compiler_params=pltpu.CompilerParams(use_tc_tiling_on_sc=False),
)


def _segcnt_body(dsts, zcnt, ones, out_cnt, dstv, onesv, cacc, csem):
    c = lax.axis_index("c")
    s = lax.axis_index("s")
    wid = c * NS + s
    cp_d = pltpu.async_copy(dsts.at[wid], dstv, csem)
    cp_z = pltpu.async_copy(zcnt, cacc.at[pl.ds(s * RPS, RPS)], csem)
    cp_o = pltpu.async_copy(ones, onesv, csem)
    cp_d.wait()
    cp_z.wait()
    cp_o.wait()
    plsc.subcore_barrier()

    def step(j, carry):
        pltpu.sync_copy(onesv, cacc.at[dstv.at[j]], add=True)
        return carry

    lax.fori_loop(0, NCHUNKC, step, 0)
    plsc.subcore_barrier()
    pltpu.sync_copy(cacc.at[pl.ds(s * RPS, RPS)],
                    out_cnt.at[c, pl.ds(s * RPS, RPS)])


_segcnt = pl.kernel(
    _segcnt_body,
    out_type=jax.ShapeDtypeStruct((NC, NP, CW), jnp.float32),
    mesh=_MESH,
    scratch_types=[
        pltpu.VMEM((NCHUNKC, CHUNKC), jnp.int32),
        pltpu.VMEM((CHUNKC, CW), jnp.float32),
        pltpu.VMEM_SHARED((NP, CW), jnp.float32),
        pltpu.SemaphoreType.DMA,
    ],
    compiler_params=pltpu.CompilerParams(use_tc_tiling_on_sc=False),
)

R = 2000


def _dense1_body(x_ref, s_ref, c_ref, wl_ref, b_ref, wr_ref,
                 g_ref, bt_ref, mu_ref, var_ref, h_ref):
    ssum = s_ref[0] + s_ref[1]
    cnt = c_ref[0, :, 0:1] + c_ref[1, :, 0:1]
    agg = ssum / jnp.maximum(cnt, 1.0)
    h = lax.dot_general(agg, wl_ref[...], (((1,), (1,)), ((), ())),
                        preferred_element_type=jnp.float32)
    h = h + b_ref[...]
    h = h + lax.dot_general(x_ref[...], wr_ref[...], (((1,), (1,)), ((), ())),
                            preferred_element_type=jnp.float32)
    scale = g_ref[...] * lax.rsqrt(var_ref[...] + 1e-5)
    h = (h - mu_ref[...]) * scale + bt_ref[...]
    h_ref[...] = jnp.maximum(h, 0.0)


def _dense2_body(h_ref, s_ref, c_ref, wl_ref, b_ref, wr_ref, o_ref):
    ssum = s_ref[0] + s_ref[1]
    cnt = c_ref[0, :, 0:1] + c_ref[1, :, 0:1]
    agg = ssum / jnp.maximum(cnt, 1.0)
    o = lax.dot_general(agg, wl_ref[...], (((1,), (1,)), ((), ())),
                        preferred_element_type=jnp.float32)
    o = o + b_ref[...]
    o = o + lax.dot_general(h_ref[...], wr_ref[...], (((1,), (1,)), ((), ())),
                            preferred_element_type=jnp.float32)
    o_ref[...] = o


_row_spec = pl.BlockSpec((R, D), lambda i: (i, 0))
_part_spec = pl.BlockSpec((NC, R, D), lambda i: (0, i, 0))
_cnt_spec = pl.BlockSpec((NC, R, CW), lambda i: (0, i, 0))
_w_spec = pl.BlockSpec((D, D), lambda i: (0, 0))
_v_spec = pl.BlockSpec((1, D), lambda i: (0, 0))

_dense1 = pl.pallas_call(
    _dense1_body,
    grid=(N // R,),
    in_specs=[_row_spec, _part_spec, _cnt_spec, _w_spec, _v_spec, _w_spec,
              _v_spec, _v_spec, _v_spec, _v_spec],
    out_specs=_row_spec,
    out_shape=jax.ShapeDtypeStruct((N, D), jnp.float32),
)

_dense2 = pl.pallas_call(
    _dense2_body,
    grid=(N // R,),
    in_specs=[_row_spec, _part_spec, _cnt_spec, _w_spec, _v_spec, _w_spec],
    out_specs=_row_spec,
    out_shape=jax.ShapeDtypeStruct((N, D), jnp.float32),
)


def kernel(x, edge_index, W1l, b1, W1r, gamma, beta, run_mean, run_var,
           W2l, b2, W2r):
    src = edge_index[0].reshape(NW, NCHUNK, CHUNK)
    dst = edge_index[1].reshape(NW, NCHUNK, CHUNK)
    zfeat = jnp.zeros((RPS, D), jnp.float32)
    dstc = edge_index[1].reshape(NW, NCHUNKC, CHUNKC)
    zcnt = jnp.zeros((RPS, CW), jnp.float32)
    ones = jnp.ones((CHUNKC, CW), jnp.float32)

    c1 = _segcnt(dstc, zcnt, ones)
    s1 = _segsum(x, src, dst, zfeat)
    h = _dense1(x, s1, c1, W1l, b1.reshape(1, D), W1r,
                gamma.reshape(1, D), beta.reshape(1, D),
                run_mean.reshape(1, D), run_var.reshape(1, D))
    s2 = _segsum(h, src, dst, zfeat)
    out = _dense2(h, s2, c1, W2l, b2.reshape(1, D), W2r)
    return out

# --- scband reference (transcript-rebuilt; emitter-appended) ---
"""Pipeline reference for scband-graph-sage-35828617183789 (READ-ONLY COPY).

The authoritative reference and input builder live on the scoring server;
editing this copy changes nothing except your own understanding.
"""

import jax, jax.numpy as jnp
import numpy as np

N = 10000
E = 320000
D = 128
H = 128
O = 128


def setup_inputs(seed: int = 0) -> dict:
    key = jax.random.key(seed)
    ks = jax.random.split(key, 8)
    x = jax.random.normal(ks[0], (N, D), dtype=jnp.float32)
    edge_index = jax.random.randint(ks[1], (2, E), 0, N, dtype=jnp.int32)
    W1l = jax.random.normal(ks[2], (H, D), dtype=jnp.float32) / jnp.sqrt(D)
    b1 = jnp.zeros((H,), dtype=jnp.float32)
    W1r = jax.random.normal(ks[3], (H, D), dtype=jnp.float32) / jnp.sqrt(D)
    gamma = jnp.ones((H,), dtype=jnp.float32)
    beta = jnp.zeros((H,), dtype=jnp.float32)
    run_mean = jnp.zeros((H,), dtype=jnp.float32)
    run_var = jnp.ones((H,), dtype=jnp.float32)
    W2l = jax.random.normal(ks[4], (O, H), dtype=jnp.float32) / jnp.sqrt(H)
    b2 = jnp.zeros((O,), dtype=jnp.float32)
    W2r = jax.random.normal(ks[5], (O, H), dtype=jnp.float32) / jnp.sqrt(H)
    return {"x": x, "edge_index": edge_index, "W1l": W1l, "b1": b1, "W1r": W1r,
            "gamma": gamma, "beta": beta, "run_mean": run_mean, "run_var": run_var,
            "W2l": W2l, "b2": b2, "W2r": W2r}


def _seg_mean(feat, src, dst, n):
    # PyG SAGEConv mean aggregation: scatter-add messages from src to dst, divide by in-degree (clamped to 1)
    s = jax.ops.segment_sum(feat[src], dst, num_segments=n)
    cnt = jax.ops.segment_sum(jnp.ones((src.shape[0],), feat.dtype), dst, num_segments=n)
    return s / jnp.clip(cnt, 1.0, None)[:, None]


def reference(x, edge_index, W1l, b1, W1r, gamma, beta, run_mean, run_var, W2l, b2, W2r):
    src, dst = edge_index[0], edge_index[1]
    n = x.shape[0]
    # x already has exactly input_dim columns -> no pad/slice
    # conv1: SAGEConv = lin_l(mean_agg(x)) + lin_r(x); lin_l has bias, lin_r has none
    agg = _seg_mean(x, src, dst, n)
    h = agg @ W1l.T + b1 + x @ W1r.T
    # bn1 in eval mode: use running statistics
    h = (h - run_mean) / jnp.sqrt(run_var + 1e-5) * gamma + beta
    h = jax.nn.relu(h)
    # dropout in eval mode: identity
    agg2 = _seg_mean(h, src, dst, n)
    out = agg2 @ W2l.T + b2 + h @ W2r.T
    return out

if __name__ == "__main__":
    import jax
    _d = setup_inputs()
    print(jax.jit(kernel)(*tuple(_d.values())))

</pallas_src>

<mosaic_0001>
#map = affine_map<(d0, d1) -> (0, 0)>
#map1 = affine_map<(d0, d1) -> (0, 0, 0)>
module attributes {stable_mosaic.version = 14 : i64} {
  func.func @_segsum_body(%arg0: i32, %arg1: i32, %arg2: memref<10000x128xf32, #tpu.memory_space<hbm>>, %arg3: memref<32x125x80xi32, #tpu.memory_space<hbm>>, %arg4: memref<32x125x80xi32, #tpu.memory_space<hbm>>, %arg5: memref<625x128xf32, #tpu.memory_space<hbm>>, %arg6: memref<2x10000x128xf32, #tpu.memory_space<hbm>>, %arg7: memref<125x80xi32, #tpu.memory_space<vmem>>, %arg8: memref<125x80xi32, #tpu.memory_space<vmem>>, %arg9: memref<3x80x128xf32, #tpu.memory_space<vmem>>, %arg10: memref<10000x128xf32, #tpu.memory_space<vmem_shared>>, %arg11: memref<!tpu.dma_semaphore, #tpu.memory_space<semaphore_mem>>) attributes {dimension_semantics = [#tpu.dimension_semantics<core_parallel>, #tpu.dimension_semantics<subcore_parallel>], iteration_bounds = array<i64: 2, 16>, scalar_prefetch = 0 : i64, scratch_operands = 5 : i64, tpu.core_type = #tpu.core_type<sc_vector_subcore>, window_params = [{transform_indices = #map}, {transform_indices = #map1}, {transform_indices = #map1}, {transform_indices = #map}, {transform_indices = #map1}]} {
    %mul3A = arith.constant 16 : i32
    %mul3A_0 = arith.muli %arg0, %mul3A : i32
    %add3A = arith.addi %mul3A_0, %arg1 : i32
    %dma_start3A = arith.constant 0 : i32
    %dma_start3A_1 = arith.constant 0 : i32
    %dma_start3A_2 = tpu.memref_slice %arg3[%add3A, %dma_start3A, %dma_start3A_1] : memref<32x125x80xi32, #tpu.memory_space<hbm>> -> memref<1x125x80xi32, #tpu.memory_space<hbm>>
    %dma_start3A_3 = tpu.memref_squeeze %dma_start3A_2 : memref<1x125x80xi32, #tpu.memory_space<hbm>> -> memref<125x80xi32, #tpu.memory_space<hbm>>
    %dma_start3A_4 = arith.constant 0 : i32
    %dma_start3A_5 = arith.constant 0 : i32
    %dma_start3A_6 = tpu.memref_slice %arg3[%add3A, %dma_start3A_4, %dma_start3A_5] : memref<32x125x80xi32, #tpu.memory_space<hbm>> -> memref<1x125x80xi32, #tpu.memory_space<hbm>>
    %dma_start3A_7 = tpu.memref_squeeze %dma_start3A_6 : memref<1x125x80xi32, #tpu.memory_space<hbm>> -> memref<125x80xi32, #tpu.memory_space<hbm>>
    tpu.enqueue_dma source(%dma_start3A_7 : memref<125x80xi32, #tpu.memory_space<hbm>>) target(%arg7 : memref<125x80xi32, #tpu.memory_space<vmem>>) target_semaphore(%arg11 : memref<!tpu.dma_semaphore, #tpu.memory_space<semaphore_mem>>)
    %dma_start3A_8 = arith.constant 0 : i32
    %dma_start3A_9 = arith.constant 0 : i32
    %dma_start3A_10 = tpu.memref_slice %arg4[%add3A, %dma_start3A_8, %dma_start3A_9] : memref<32x125x80xi32, #tpu.memory_space<hbm>> -> memref<1x125x80xi32, #tpu.memory_space<hbm>>
    %dma_start3A_11 = tpu.memref_squeeze %dma_start3A_10 : memref<1x125x80xi32, #tpu.memory_space<hbm>> -> memref<125x80xi32, #tpu.memory_space<hbm>>
    %dma_start3A_12 = arith.constant 0 : i32
    %dma_start3A_13 = arith.constant 0 : i32
    %dma_start3A_14 = tpu.memref_slice %arg4[%add3A, %dma_start3A_12, %dma_start3A_13] : memref<32x125x80xi32, #tpu.memory_space<hbm>> -> memref<1x125x80xi32, #tpu.memory_space<hbm>>
    %dma_start3A_15 = tpu.memref_squeeze %dma_start3A_14 : memref<1x125x80xi32, #tpu.memory_space<hbm>> -> memref<125x80xi32, #tpu.memory_space<hbm>>
    tpu.enqueue_dma source(%dma_start3A_15 : memref<125x80xi32, #tpu.memory_space<hbm>>) target(%arg8 : memref<125x80xi32, #tpu.memory_space<vmem>>) target_semaphore(%arg11 : memref<!tpu.dma_semaphore, #tpu.memory_space<semaphore_mem>>)
    %mul3A_16 = arith.constant 625 : i32
    %mul3A_17 = arith.muli %arg1, %mul3A_16 : i32
    %dma_start3A_18 = arith.constant 0 : i32
    %dma_start3A_19 = tpu.memref_slice %arg10[%mul3A_17, %dma_start3A_18] : memref<10000x128xf32, #tpu.memory_space<vmem_shared>> -> memref<625x128xf32, #tpu.memory_space<vmem_shared>>
    tpu.enqueue_dma source(%arg5 : memref<625x128xf32, #tpu.memory_space<hbm>>) target(%dma_start3A_19 : memref<625x128xf32, #tpu.memory_space<vmem_shared>>) target_semaphore(%arg11 : memref<!tpu.dma_semaphore, #tpu.memory_space<semaphore_mem>>)
    %dma_wait3A = arith.constant 0 : i32
    %dma_wait3A_20 = arith.constant 0 : i32
    %dma_wait3A_21 = tpu.memref_slice %arg3[%add3A, %dma_wait3A, %dma_wait3A_20] : memref<32x125x80xi32, #tpu.memory_space<hbm>> -> memref<1x125x80xi32, #tpu.memory_space<hbm>>
    %dma_wait3A_22 = tpu.memref_squeeze %dma_wait3A_21 : memref<1x125x80xi32, #tpu.memory_space<hbm>> -> memref<125x80xi32, #tpu.memory_space<hbm>>
    %dma_wait3A_23 = arith.constant 0 : i32
    %dma_wait3A_24 = arith.constant 0 : i32
    %dma_wait3A_25 = tpu.memref_slice %arg3[%add3A, %dma_wait3A_23, %dma_wait3A_24] : memref<32x125x80xi32, #tpu.memory_space<hbm>> -> memref<1x125x80xi32, #tpu.memory_space<hbm>>
    %dma_wait3A_26 = tpu.memref_squeeze %dma_wait3A_25 : memref<1x125x80xi32, #tpu.memory_space<hbm>> -> memref<125x80xi32, #tpu.memory_space<hbm>>
    tpu.wait_dma2 semaphore(%arg11 : memref<!tpu.dma_semaphore, #tpu.memory_space<semaphore_mem>>) src(%dma_wait3A_26 : memref<125x80xi32, #tpu.memory_space<hbm>>) dst(%arg7 : memref<125x80xi32, #tpu.memory_space<vmem>>)
    %dma_wait3A_27 = arith.constant 0 : i32
    %dma_wait3A_28 = arith.constant 0 : i32
    %dma_wait3A_29 = tpu.memref_slice %arg4[%add3A, %dma_wait3A_27, %dma_wait3A_28] : memref<32x125x80xi32, #tpu.memory_space<hbm>> -> memref<1x125x80xi32, #tpu.memory_space<hbm>>
    %dma_wait3A_30 = tpu.memref_squeeze %dma_wait3A_29 : memref<1x125x80xi32, #tpu.memory_space<hbm>> -> memref<125x80xi32, #tpu.memory_space<hbm>>
    %dma_wait3A_31 = arith.constant 0 : i32
    %dma_wait3A_32 = arith.constant 0 : i32
    %dma_wait3A_33 = tpu.memref_slice %arg4[%add3A, %dma_wait3A_31, %dma_wait3A_32] : memref<32x125x80xi32, #tpu.memory_space<hbm>> -> memref<1x125x80xi32, #tpu.memory_space<hbm>>
    %dma_wait3A_34 = tpu.memref_squeeze %dma_wait3A_33 : memref<1x125x80xi32, #tpu.memory_space<hbm>> -> memref<125x80xi32, #tpu.memory_space<hbm>>
    tpu.wait_dma2 semaphore(%arg11 : memref<!tpu.dma_semaphore, #tpu.memory_space<semaphore_mem>>) src(%dma_wait3A_34 : memref<125x80xi32, #tpu.memory_space<hbm>>) dst(%arg8 : memref<125x80xi32, #tpu.memory_space<vmem>>)
    %dma_wait3A_35 = arith.constant 0 : i32
    %dma_wait3A_36 = tpu.memref_slice %arg10[%mul3A_17, %dma_wait3A_35] : memref<10000x128xf32, #tpu.memory_space<vmem_shared>> -> memref<625x128xf32, #tpu.memory_space<vmem_shared>>
    tpu.wait_dma2 semaphore(%arg11 : memref<!tpu.dma_semaphore, #tpu.memory_space<semaphore_mem>>) src(%arg5 : memref<625x128xf32, #tpu.memory_space<hbm>>) dst(%dma_wait3A_36 : memref<625x128xf32, #tpu.memory_space<vmem_shared>>)
    %barrier3A = arith.constant 0 : index
    tpu.barrier barrier_id(%barrier3A)
    %scan3A = arith.constant 0 : i32
    %scan3A_37 = arith.constant 0 : i32
    %scan3A_38 = arith.constant 127 : i32
    %scan3A_39 = arith.addi %scan3A_37, %scan3A_38 : i32
    %scan3A_40 = arith.constant 1 : i32
    scf.for %scan3A_47 = %scan3A_37 to %scan3A_39 step %scan3A_40  : i32 {
      %lt3A = arith.constant 125 : i32
      %lt3A_48 = arith.cmpi slt, %scan3A_47, %lt3A : i32
      %convert_element_type3A = arith.extui %lt3A_48 : i1 to i32
      %cond3A = arith.constant 0 : i32
      %cond3A_49 = arith.cmpi ne, %convert_element_type3A, %cond3A : i32
      scf.if %cond3A_49 {
        %jit3A = arith.constant 3 : i32
        %eq3A = arith.constant 0 : i32
        %eq3A_54 = arith.cmpi eq, %jit3A, %eq3A : i32
        %jit3A_55 = arith.constant 1 : i32
        %select_n3A = arith.select %eq3A_54, %jit3A_55, %jit3A : i32
        %rem3A = arith.remsi %scan3A_47, %select_n3A : i32
        %ne3A = arith.constant 0 : i32
        %ne3A_56 = arith.cmpi ne, %rem3A, %ne3A : i32
        %lt3A_57 = arith.constant 0 : i32
        %lt3A_58 = arith.cmpi slt, %rem3A, %lt3A_57 : i32
        %lt3A_59 = arith.constant 0 : i32
        %lt3A_60 = arith.cmpi slt, %select_n3A, %lt3A_59 : i32
        %ne3A_61 = arith.xori %lt3A_58, %lt3A_60 : i1
        %and3A = arith.andi %ne3A_61, %ne3A_56 : i1
        %add3A_62 = arith.addi %rem3A, %select_n3A : i32
        %select_n3A_63 = arith.select %and3A, %add3A_62, %rem3A : i32
        %dma_start3A_64 = arith.constant 0 : i32
        %dma_start3A_65 = arith.constant 0 : i32
        %dma_start3A_66 = tpu.memref_slice %arg9[%select_n3A_63, %dma_start3A_64, %dma_start3A_65] : memref<3x80x128xf32, #tpu.memory_space<vmem>> -> memref<1x80x128xf32, #tpu.memory_space<vmem>>
        %dma_start3A_67 = tpu.memref_squeeze %dma_start3A_66 : memref<1x80x128xf32, #tpu.memory_space<vmem>> -> memref<80x128xf32, #tpu.memory_space<vmem>>
        %dma_start3A_68 = arith.constant 0 : i32
        %dma_start3A_69 = tpu.memref_slice %arg7[%scan3A_47, %dma_start3A_68] : memref<125x80xi32, #tpu.memory_space<vmem>> -> memref<1x80xi32, #tpu.memory_space<vmem>>
        %dma_start3A_70 = tpu.memref_squeeze %dma_start3A_69 : memref<1x80xi32, #tpu.memory_space<vmem>> -> memref<80xi32, #tpu.memory_space<vmem>>
        %dma_start3A_71 = arith.constant 0 : i32
        %dma_start3A_72 = arith.constant 0 : i32
        %dma_start3A_73 = tpu.memref_slice %arg2[%dma_start3A_71, %dma_start3A_72] : memref<10000x128xf32, #tpu.memory_space<hbm>> -> memref<10000x128xf32, #tpu.memory_space<hbm>>
        tpu.enqueue_indirect_dma source(%dma_start3A_73 : memref<10000x128xf32, #tpu.memory_space<hbm>>) target(%dma_start3A_67 : memref<80x128xf32, #tpu.memory_space<vmem>>) offsets(%dma_start3A_70 : memref<80xi32, #tpu.memory_space<vmem>>) semaphore(%arg11 : memref<!tpu.dma_semaphore, #tpu.memory_space<semaphore_mem>>)
      } else {
      }
      %ge3A = arith.constant 2 : i32
      %ge3A_50 = arith.cmpi sge, %scan3A_47, %ge3A : i32
      %convert_element_type3A_51 = arith.extui %ge3A_50 : i1 to i32
      %cond3A_52 = arith.constant 0 : i32
      %cond3A_53 = arith.cmpi ne, %convert_element_type3A_51, %cond3A_52 : i32
      scf.if %cond3A_53 {
        %sub3A = arith.constant 2 : i32
        %sub3A_54 = arith.subi %scan3A_47, %sub3A : i32
        %jit3A = arith.constant 3 : i32
        %eq3A = arith.constant 0 : i32
        %eq3A_55 = arith.cmpi eq, %jit3A, %eq3A : i32
        %jit3A_56 = arith.constant 1 : i32
        %select_n3A = arith.select %eq3A_55, %jit3A_56, %jit3A : i32
        %rem3A = arith.remsi %sub3A_54, %select_n3A : i32
        %ne3A = arith.constant 0 : i32
        %ne3A_57 = arith.cmpi ne, %rem3A, %ne3A : i32
        %lt3A_58 = arith.constant 0 : i32
        %lt3A_59 = arith.cmpi slt, %rem3A, %lt3A_58 : i32
        %lt3A_60 = arith.constant 0 : i32
        %lt3A_61 = arith.cmpi slt, %select_n3A, %lt3A_60 : i32
        %ne3A_62 = arith.xori %lt3A_59, %lt3A_61 : i1
        %and3A = arith.andi %ne3A_62, %ne3A_57 : i1
        %add3A_63 = arith.addi %rem3A, %select_n3A : i32
        %select_n3A_64 = arith.select %and3A, %add3A_63, %rem3A : i32
        %dma_wait3A_65 = arith.constant 0 : i32
        %dma_wait3A_66 = arith.constant 0 : i32
        %dma_wait3A_67 = tpu.memref_slice %arg9[%select_n3A_64, %dma_wait3A_65, %dma_wait3A_66] : memref<3x80x128xf32, #tpu.memory_space<vmem>> -> memref<1x80x128xf32, #tpu.memory_space<vmem>>
        %dma_wait3A_68 = tpu.memref_squeeze %dma_wait3A_67 : memref<1x80x128xf32, #tpu.memory_space<vmem>> -> memref<80x128xf32, #tpu.memory_space<vmem>>
        %dma_wait3A_69 = arith.constant 0 : i32
        %dma_wait3A_70 = tpu.memref_slice %arg7[%sub3A_54, %dma_wait3A_69] : memref<125x80xi32, #tpu.memory_space<vmem>> -> memref<1x80xi32, #tpu.memory_space<vmem>>
        %dma_wait3A_71 = tpu.memref_squeeze %dma_wait3A_70 : memref<1x80xi32, #tpu.memory_space<vmem>> -> memref<80xi32, #tpu.memory_space<vmem>>
        %dma_wait3A_72 = arith.constant 0 : i32
        %dma_wait3A_73 = arith.constant 0 : i32
        %dma_wait3A_74 = tpu.memref_slice %arg2[%dma_wait3A_72, %dma_wait3A_73] : memref<10000x128xf32, #tpu.memory_space<hbm>> -> memref<10000x128xf32, #tpu.memory_space<hbm>>
        tpu.wait_indirect_dma semaphore(%arg11 : memref<!tpu.dma_semaphore, #tpu.memory_space<semaphore_mem>>) src(%dma_wait3A_74 : memref<10000x128xf32, #tpu.memory_space<hbm>>) dst(%dma_wait3A_68 : memref<80x128xf32, #tpu.memory_space<vmem>>)
        %jit3A_75 = arith.constant 3 : i32
        %eq3A_76 = arith.constant 0 : i32
        %eq3A_77 = arith.cmpi eq, %jit3A_75, %eq3A_76 : i32
        %jit3A_78 = arith.constant 1 : i32
        %select_n3A_79 = arith.select %eq3A_77, %jit3A_78, %jit3A_75 : i32
        %rem3A_80 = arith.remsi %sub3A_54, %select_n3A_79 : i32
        %ne3A_81 = arith.constant 0 : i32
        %ne3A_82 = arith.cmpi ne, %rem3A_80, %ne3A_81 : i32
        %lt3A_83 = arith.constant 0 : i32
        %lt3A_84 = arith.cmpi slt, %rem3A_80, %lt3A_83 : i32
        %lt3A_85 = arith.constant 0 : i32
        %lt3A_86 = arith.cmpi slt, %select_n3A_79, %lt3A_85 : i32
        %ne3A_87 = arith.xori %lt3A_84, %lt3A_86 : i1
        %and3A_88 = arith.andi %ne3A_87, %ne3A_82 : i1
        %add3A_89 = arith.addi %rem3A_80, %select_n3A_79 : i32
        %select_n3A_90 = arith.select %and3A_88, %add3A_89, %rem3A_80 : i32
        "tpu.region"() ({
          %run_scoped3A = tpu.sem_alloc : memref<!tpu.dma_semaphore, #tpu.memory_space<semaphore_mem>>
          %dma_start3A_91 = arith.constant 0 : i32
          %dma_start3A_92 = arith.constant 0 : i32
          %dma_start3A_93 = tpu.memref_slice %arg9[%select_n3A_90, %dma_start3A_91, %dma_start3A_92] : memref<3x80x128xf32, #tpu.memory_space<vmem>> -> memref<1x80x128xf32, #tpu.memory_space<vmem>>
          %dma_start3A_94 = tpu.memref_squeeze %dma_start3A_93 : memref<1x80x128xf32, #tpu.memory_space<vmem>> -> memref<80x128xf32, #tpu.memory_space<vmem>>
          %dma_start3A_95 = arith.constant 0 : i32
          %dma_start3A_96 = tpu.memref_slice %arg8[%sub3A_54, %dma_start3A_95] : memref<125x80xi32, #tpu.memory_space<vmem>> -> memref<1x80xi32, #tpu.memory_space<vmem>>
          %dma_start3A_97 = tpu.memref_squeeze %dma_start3A_96 : memref<1x80xi32, #tpu.memory_space<vmem>> -> memref<80xi32, #tpu.memory_space<vmem>>
          %dma_start3A_98 = arith.constant 0 : i32
          %dma_start3A_99 = arith.constant 0 : i32
          %dma_start3A_100 = tpu.memref_slice %arg10[%dma_start3A_98, %dma_start3A_99] : memref<10000x128xf32, #tpu.memory_space<vmem_shared>> -> memref<10000x128xf32, #tpu.memory_space<vmem_shared>>
          tpu.enqueue_indirect_dma source(%dma_start3A_94 : memref<80x128xf32, #tpu.memory_space<vmem>>) target(%dma_start3A_100 : memref<10000x128xf32, #tpu.memory_space<vmem_shared>>) offsets(%dma_start3A_97 : memref<80xi32, #tpu.memory_space<vmem>>) semaphore(%run_scoped3A : memref<!tpu.dma_semaphore, #tpu.memory_space<semaphore_mem>>) {add = true}
          %dma_wait3A_101 = arith.constant 0 : i32
          %dma_wait3A_102 = arith.constant 0 : i32
          %dma_wait3A_103 = tpu.memref_slice %arg9[%select_n3A_90, %dma_wait3A_101, %dma_wait3A_102] : memref<3x80x128xf32, #tpu.memory_space<vmem>> -> memref<1x80x128xf32, #tpu.memory_space<vmem>>
          %dma_wait3A_104 = tpu.memref_squeeze %dma_wait3A_103 : memref<1x80x128xf32, #tpu.memory_space<vmem>> -> memref<80x128xf32, #tpu.memory_space<vmem>>
          %dma_wait3A_105 = arith.constant 0 : i32
          %dma_wait3A_106 = tpu.memref_slice %arg8[%sub3A_54, %dma_wait3A_105] : memref<125x80xi32, #tpu.memory_space<vmem>> -> memref<1x80xi32, #tpu.memory_space<vmem>>
          %dma_wait3A_107 = tpu.memref_squeeze %dma_wait3A_106 : memref<1x80xi32, #tpu.memory_space<vmem>> -> memref<80xi32, #tpu.memory_space<vmem>>
          %dma_wait3A_108 = arith.constant 0 : i32
          %dma_wait3A_109 = arith.constant 0 : i32
          %dma_wait3A_110 = tpu.memref_slice %arg10[%dma_wait3A_108, %dma_wait3A_109] : memref<10000x128xf32, #tpu.memory_space<vmem_shared>> -> memref<10000x128xf32, #tpu.memory_space<vmem_shared>>
          tpu.wait_indirect_dma semaphore(%run_scoped3A : memref<!tpu.dma_semaphore, #tpu.memory_space<semaphore_mem>>) src(%dma_wait3A_104 : memref<80x128xf32, #tpu.memory_space<vmem>>) dst(%dma_wait3A_110 : memref<10000x128xf32, #tpu.memory_space<vmem_shared>>)
          tpu.yield
        }) : () -> ()
      } else {
      }
    }
    %scan3A_41 = arith.constant 127 : i32
    %barrier3A_42 = arith.constant 0 : index
    tpu.barrier barrier_id(%barrier3A_42)
    %mul3A_43 = arith.constant 625 : i32
    %mul3A_44 = arith.muli %arg1, %mul3A_43 : i32
    %mul3A_45 = arith.constant 625 : i32
    %mul3A_46 = arith.muli %arg1, %mul3A_45 : i32
    "tpu.region"() ({
      %run_scoped3A = tpu.sem_alloc : memref<!tpu.dma_semaphore, #tpu.memory_space<semaphore_mem>>
      %dma_start3A_47 = arith.constant 0 : i32
      %dma_start3A_48 = tpu.memref_slice %arg6[%arg0, %mul3A_46, %dma_start3A_47] : memref<2x10000x128xf32, #tpu.memory_space<hbm>> -> memref<1x625x128xf32, #tpu.memory_space<hbm>>
      %dma_start3A_49 = tpu.memref_squeeze %dma_start3A_48 : memref<1x625x128xf32, #tpu.memory_space<hbm>> -> memref<625x128xf32, #tpu.memory_space<hbm>>
      %dma_start3A_50 = arith.constant 0 : i32
      %dma_start3A_51 = tpu.memref_slice %arg10[%mul3A_44, %dma_start3A_50] : memref<10000x128xf32, #tpu.memory_space<vmem_shared>> -> memref<625x128xf32, #tpu.memory_space<vmem_shared>>
      tpu.enqueue_dma source(%dma_start3A_51 : memref<625x128xf32, #tpu.memory_space<vmem_shared>>) target(%dma_start3A_49 : memref<625x128xf32, #tpu.memory_space<hbm>>) target_semaphore(%run_scoped3A : memref<!tpu.dma_semaphore, #tpu.memory_space<semaphore_mem>>)
      %dma_wait3A_52 = arith.constant 0 : i32
      %dma_wait3A_53 = tpu.memref_slice %arg6[%arg0, %mul3A_46, %dma_wait3A_52] : memref<2x10000x128xf32, #tpu.memory_space<hbm>> -> memref<1x625x128xf32, #tpu.memory_space<hbm>>
      %dma_wait3A_54 = tpu.memref_squeeze %dma_wait3A_53 : memref<1x625x128xf32, #tpu.memory_space<hbm>> -> memref<625x128xf32, #tpu.memory_space<hbm>>
      %dma_wait3A_55 = arith.constant 0 : i32
      %dma_wait3A_56 = tpu.memref_slice %arg10[%mul3A_44, %dma_wait3A_55] : memref<10000x128xf32, #tpu.memory_space<vmem_shared>> -> memref<625x128xf32, #tpu.memory_space<vmem_shared>>
      tpu.wait_dma2 semaphore(%run_scoped3A : memref<!tpu.dma_semaphore, #tpu.memory_space<semaphore_mem>>) src(%dma_wait3A_56 : memref<625x128xf32, #tpu.memory_space<vmem_shared>>) dst(%dma_wait3A_54 : memref<625x128xf32, #tpu.memory_space<hbm>>)
      tpu.yield
    }) : () -> ()
    return
  }
}

#map = affine_map<(d0, d1) -> (0, 0, 0)>
#map1 = affine_map<(d0, d1) -> (0, 0)>
module attributes {stable_mosaic.version = 14 : i64} {
  func.func @_segcnt_body(%arg0: i32, %arg1: i32, %arg2: memref<32x80x125xi32, #tpu.memory_space<hbm>>, %arg3: memref<625x16xf32, #tpu.memory_space<hbm>>, %arg4: memref<125x16xf32, #tpu.memory_space<hbm>>, %arg5: memref<2x10000x16xf32, #tpu.memory_space<hbm>>, %arg6: memref<80x125xi32, #tpu.memory_space<vmem>>, %arg7: memref<125x16xf32, #tpu.memory_space<vmem>>, %arg8: memref<10000x16xf32, #tpu.memory_space<vmem_shared>>, %arg9: memref<!tpu.dma_semaphore, #tpu.memory_space<semaphore_mem>>) attributes {dimension_semantics = [#tpu.dimension_semantics<core_parallel>, #tpu.dimension_semantics<subcore_parallel>], iteration_bounds = array<i64: 2, 16>, scalar_prefetch = 0 : i64, scratch_operands = 4 : i64, tpu.core_type = #tpu.core_type<sc_vector_subcore>, window_params = [{transform_indices = #map}, {transform_indices = #map1}, {transform_indices = #map1}, {transform_indices = #map}]} {
    %mul3A = arith.constant 16 : i32
    %mul3A_0 = arith.muli %arg0, %mul3A : i32
    %add3A = arith.addi %mul3A_0, %arg1 : i32
    %dma_start3A = arith.constant 0 : i32
    %dma_start3A_1 = arith.constant 0 : i32
    %dma_start3A_2 = tpu.memref_slice %arg2[%add3A, %dma_start3A, %dma_start3A_1] : memref<32x80x125xi32, #tpu.memory_space<hbm>> -> memref<1x80x125xi32, #tpu.memory_space<hbm>>
    %dma_start3A_3 = tpu.memref_squeeze %dma_start3A_2 : memref<1x80x125xi32, #tpu.memory_space<hbm>> -> memref<80x125xi32, #tpu.memory_space<hbm>>
    %dma_start3A_4 = arith.constant 0 : i32
    %dma_start3A_5 = arith.constant 0 : i32
    %dma_start3A_6 = tpu.memref_slice %arg2[%add3A, %dma_start3A_4, %dma_start3A_5] : memref<32x80x125xi32, #tpu.memory_space<hbm>> -> memref<1x80x125xi32, #tpu.memory_space<hbm>>
    %dma_start3A_7 = tpu.memref_squeeze %dma_start3A_6 : memref<1x80x125xi32, #tpu.memory_space<hbm>> -> memref<80x125xi32, #tpu.memory_space<hbm>>
    tpu.enqueue_dma source(%dma_start3A_7 : memref<80x125xi32, #tpu.memory_space<hbm>>) target(%arg6 : memref<80x125xi32, #tpu.memory_space<vmem>>) target_semaphore(%arg9 : memref<!tpu.dma_semaphore, #tpu.memory_space<semaphore_mem>>)
    %mul3A_8 = arith.constant 625 : i32
    %mul3A_9 = arith.muli %arg1, %mul3A_8 : i32
    %dma_start3A_10 = arith.constant 0 : i32
    %dma_start3A_11 = tpu.memref_slice %arg8[%mul3A_9, %dma_start3A_10] : memref<10000x16xf32, #tpu.memory_space<vmem_shared>> -> memref<625x16xf32, #tpu.memory_space<vmem_shared>>
    tpu.enqueue_dma source(%arg3 : memref<625x16xf32, #tpu.memory_space<hbm>>) target(%dma_start3A_11 : memref<625x16xf32, #tpu.memory_space<vmem_shared>>) target_semaphore(%arg9 : memref<!tpu.dma_semaphore, #tpu.memory_space<semaphore_mem>>)
    tpu.enqueue_dma source(%arg4 : memref<125x16xf32, #tpu.memory_space<hbm>>) target(%arg7 : memref<125x16xf32, #tpu.memory_space<vmem>>) target_semaphore(%arg9 : memref<!tpu.dma_semaphore, #tpu.memory_space<semaphore_mem>>)
    %dma_wait3A = arith.constant 0 : i32
    %dma_wait3A_12 = arith.constant 0 : i32
    %dma_wait3A_13 = tpu.memref_slice %arg2[%add3A, %dma_wait3A, %dma_wait3A_12] : memref<32x80x125xi32, #tpu.memory_space<hbm>> -> memref<1x80x125xi32, #tpu.memory_space<hbm>>
    %dma_wait3A_14 = tpu.memref_squeeze %dma_wait3A_13 : memref<1x80x125xi32, #tpu.memory_space<hbm>> -> memref<80x125xi32, #tpu.memory_space<hbm>>
    %dma_wait3A_15 = arith.constant 0 : i32
    %dma_wait3A_16 = arith.constant 0 : i32
    %dma_wait3A_17 = tpu.memref_slice %arg2[%add3A, %dma_wait3A_15, %dma_wait3A_16] : memref<32x80x125xi32, #tpu.memory_space<hbm>> -> memref<1x80x125xi32, #tpu.memory_space<hbm>>
    %dma_wait3A_18 = tpu.memref_squeeze %dma_wait3A_17 : memref<1x80x125xi32, #tpu.memory_space<hbm>> -> memref<80x125xi32, #tpu.memory_space<hbm>>
    tpu.wait_dma2 semaphore(%arg9 : memref<!tpu.dma_semaphore, #tpu.memory_space<semaphore_mem>>) src(%dma_wait3A_18 : memref<80x125xi32, #tpu.memory_space<hbm>>) dst(%arg6 : memref<80x125xi32, #tpu.memory_space<vmem>>)
    %dma_wait3A_19 = arith.constant 0 : i32
    %dma_wait3A_20 = tpu.memref_slice %arg8[%mul3A_9, %dma_wait3A_19] : memref<10000x16xf32, #tpu.memory_space<vmem_shared>> -> memref<625x16xf32, #tpu.memory_space<vmem_shared>>
    tpu.wait_dma2 semaphore(%arg9 : memref<!tpu.dma_semaphore, #tpu.memory_space<semaphore_mem>>) src(%arg3 : memref<625x16xf32, #tpu.memory_space<hbm>>) dst(%dma_wait3A_20 : memref<625x16xf32, #tpu.memory_space<vmem_shared>>)
    tpu.wait_dma2 semaphore(%arg9 : memref<!tpu.dma_semaphore, #tpu.memory_space<semaphore_mem>>) src(%arg4 : memref<125x16xf32, #tpu.memory_space<hbm>>) dst(%arg7 : memref<125x16xf32, #tpu.memory_space<vmem>>)
    %barrier3A = arith.constant 0 : index
    tpu.barrier barrier_id(%barrier3A)
    %scan3A = arith.constant 0 : i32
    %scan3A_21 = arith.constant 0 : i32
    %scan3A_22 = arith.constant 80 : i32
    %scan3A_23 = arith.addi %scan3A_21, %scan3A_22 : i32
    %scan3A_24 = arith.constant 1 : i32
    scf.for %scan3A_31 = %scan3A_21 to %scan3A_23 step %scan3A_24  : i32 {
      "tpu.region"() ({
        %run_scoped3A = tpu.sem_alloc : memref<!tpu.dma_semaphore, #tpu.memory_space<semaphore_mem>>
        %dma_start3A_32 = arith.constant 0 : i32
        %dma_start3A_33 = tpu.memref_slice %arg6[%scan3A_31, %dma_start3A_32] : memref<80x125xi32, #tpu.memory_space<vmem>> -> memref<1x125xi32, #tpu.memory_space<vmem>>
        %dma_start3A_34 = tpu.memref_squeeze %dma_start3A_33 : memref<1x125xi32, #tpu.memory_space<vmem>> -> memref<125xi32, #tpu.memory_space<vmem>>
        %dma_start3A_35 = arith.constant 0 : i32
        %dma_start3A_36 = arith.constant 0 : i32
        %dma_start3A_37 = tpu.memref_slice %arg8[%dma_start3A_35, %dma_start3A_36] : memref<10000x16xf32, #tpu.memory_space<vmem_shared>> -> memref<10000x16xf32, #tpu.memory_space<vmem_shared>>
        tpu.enqueue_indirect_dma source(%arg7 : memref<125x16xf32, #tpu.memory_space<vmem>>) target(%dma_start3A_37 : memref<10000x16xf32, #tpu.memory_space<vmem_shared>>) offsets(%dma_start3A_34 : memref<125xi32, #tpu.memory_space<vmem>>) semaphore(%run_scoped3A : memref<!tpu.dma_semaphore, #tpu.memory_space<semaphore_mem>>) {add = true}
        %dma_wait3A_38 = arith.constant 0 : i32
        %dma_wait3A_39 = tpu.memref_slice %arg6[%scan3A_31, %dma_wait3A_38] : memref<80x125xi32, #tpu.memory_space<vmem>> -> memref<1x125xi32, #tpu.memory_space<vmem>>
        %dma_wait3A_40 = tpu.memref_squeeze %dma_wait3A_39 : memref<1x125xi32, #tpu.memory_space<vmem>> -> memref<125xi32, #tpu.memory_space<vmem>>
        %dma_wait3A_41 = arith.constant 0 : i32
        %dma_wait3A_42 = arith.constant 0 : i32
        %dma_wait3A_43 = tpu.memref_slice %arg8[%dma_wait3A_41, %dma_wait3A_42] : memref<10000x16xf32, #tpu.memory_space<vmem_shared>> -> memref<10000x16xf32, #tpu.memory_space<vmem_shared>>
        tpu.wait_indirect_dma semaphore(%run_scoped3A : memref<!tpu.dma_semaphore, #tpu.memory_space<semaphore_mem>>) src(%arg7 : memref<125x16xf32, #tpu.memory_space<vmem>>) dst(%dma_wait3A_43 : memref<10000x16xf32, #tpu.memory_space<vmem_shared>>)
        tpu.yield
      }) : () -> ()
    }
    %scan3A_25 = arith.constant 80 : i32
    %barrier3A_26 = arith.constant 0 : index
    tpu.barrier barrier_id(%barrier3A_26)
    %mul3A_27 = arith.constant 625 : i32
    %mul3A_28 = arith.muli %arg1, %mul3A_27 : i32
    %mul3A_29 = arith.constant 625 : i32
    %mul3A_30 = arith.muli %arg1, %mul3A_29 : i32
    "tpu.region"() ({
      %run_scoped3A = tpu.sem_alloc : memref<!tpu.dma_semaphore, #tpu.memory_space<semaphore_mem>>
      %dma_start3A_31 = arith.constant 0 : i32
      %dma_start3A_32 = tpu.memref_slice %arg5[%arg0, %mul3A_30, %dma_start3A_31] : memref<2x10000x16xf32, #tpu.memory_space<hbm>> -> memref<1x625x16xf32, #tpu.memory_space<hbm>>
      %dma_start3A_33 = tpu.memref_squeeze %dma_start3A_32 : memref<1x625x16xf32, #tpu.memory_space<hbm>> -> memref<625x16xf32, #tpu.memory_space<hbm>>
      %dma_start3A_34 = arith.constant 0 : i32
      %dma_start3A_35 = tpu.memref_slice %arg8[%mul3A_28, %dma_start3A_34] : memref<10000x16xf32, #tpu.memory_space<vmem_shared>> -> memref<625x16xf32, #tpu.memory_space<vmem_shared>>
      tpu.enqueue_dma source(%dma_start3A_35 : memref<625x16xf32, #tpu.memory_space<vmem_shared>>) target(%dma_start3A_33 : memref<625x16xf32, #tpu.memory_space<hbm>>) target_semaphore(%run_scoped3A : memref<!tpu.dma_semaphore, #tpu.memory_space<semaphore_mem>>)
      %dma_wait3A_36 = arith.constant 0 : i32
      %dma_wait3A_37 = tpu.memref_slice %arg5[%arg0, %mul3A_30, %dma_wait3A_36] : memref<2x10000x16xf32, #tpu.memory_space<hbm>> -> memref<1x625x16xf32, #tpu.memory_space<hbm>>
      %dma_wait3A_38 = tpu.memref_squeeze %dma_wait3A_37 : memref<1x625x16xf32, #tpu.memory_space<hbm>> -> memref<625x16xf32, #tpu.memory_space<hbm>>
      %dma_wait3A_39 = arith.constant 0 : i32
      %dma_wait3A_40 = tpu.memref_slice %arg8[%mul3A_28, %dma_wait3A_39] : memref<10000x16xf32, #tpu.memory_space<vmem_shared>> -> memref<625x16xf32, #tpu.memory_space<vmem_shared>>
      tpu.wait_dma2 semaphore(%run_scoped3A : memref<!tpu.dma_semaphore, #tpu.memory_space<semaphore_mem>>) src(%dma_wait3A_40 : memref<625x16xf32, #tpu.memory_space<vmem_shared>>) dst(%dma_wait3A_38 : memref<625x16xf32, #tpu.memory_space<hbm>>)
      tpu.yield
    }) : () -> ()
    return
  }
}

#map = affine_map<(d0, d1) -> (0, 0)>
#map1 = affine_map<(d0, d1) -> (0, 0, 0)>
module attributes {stable_mosaic.version = 14 : i64} {
  func.func @_segsum_body(%arg0: i32, %arg1: i32, %arg2: memref<10000x128xf32, #tpu.memory_space<hbm>>, %arg3: memref<32x125x80xi32, #tpu.memory_space<hbm>>, %arg4: memref<32x125x80xi32, #tpu.memory_space<hbm>>, %arg5: memref<625x128xf32, #tpu.memory_space<hbm>>, %arg6: memref<2x10000x128xf32, #tpu.memory_space<hbm>>, %arg7: memref<125x80xi32, #tpu.memory_space<vmem>>, %arg8: memref<125x80xi32, #tpu.memory_space<vmem>>, %arg9: memref<3x80x128xf32, #tpu.memory_space<vmem>>, %arg10: memref<10000x128xf32, #tpu.memory_space<vmem_shared>>, %arg11: memref<!tpu.dma_semaphore, #tpu.memory_space<semaphore_mem>>) attributes {dimension_semantics = [#tpu.dimension_semantics<core_parallel>, #tpu.dimension_semantics<subcore_parallel>], iteration_bounds = array<i64: 2, 16>, scalar_prefetch = 0 : i64, scratch_operands = 5 : i64, tpu.core_type = #tpu.core_type<sc_vector_subcore>, window_params = [{transform_indices = #map}, {transform_indices = #map1}, {transform_indices = #map1}, {transform_indices = #map}, {transform_indices = #map1}]} {
    %mul3A = arith.constant 16 : i32
    %mul3A_0 = arith.muli %arg0, %mul3A : i32
    %add3A = arith.addi %mul3A_0, %arg1 : i32
    %dma_start3A = arith.constant 0 : i32
    %dma_start3A_1 = arith.constant 0 : i32
    %dma_start3A_2 = tpu.memref_slice %arg3[%add3A, %dma_start3A, %dma_start3A_1] : memref<32x125x80xi32, #tpu.memory_space<hbm>> -> memref<1x125x80xi32, #tpu.memory_space<hbm>>
    %dma_start3A_3 = tpu.memref_squeeze %dma_start3A_2 : memref<1x125x80xi32, #tpu.memory_space<hbm>> -> memref<125x80xi32, #tpu.memory_space<hbm>>
    %dma_start3A_4 = arith.constant 0 : i32
    %dma_start3A_5 = arith.constant 0 : i32
    %dma_start3A_6 = tpu.memref_slice %arg3[%add3A, %dma_start3A_4, %dma_start3A_5] : memref<32x125x80xi32, #tpu.memory_space<hbm>> -> memref<1x125x80xi32, #tpu.memory_space<hbm>>
    %dma_start3A_7 = tpu.memref_squeeze %dma_start3A_6 : memref<1x125x80xi32, #tpu.memory_space<hbm>> -> memref<125x80xi32, #tpu.memory_space<hbm>>
    tpu.enqueue_dma source(%dma_start3A_7 : memref<125x80xi32, #tpu.memory_space<hbm>>) target(%arg7 : memref<125x80xi32, #tpu.memory_space<vmem>>) target_semaphore(%arg11 : memref<!tpu.dma_semaphore, #tpu.memory_space<semaphore_mem>>)
    %dma_start3A_8 = arith.constant 0 : i32
    %dma_start3A_9 = arith.constant 0 : i32
    %dma_start3A_10 = tpu.memref_slice %arg4[%add3A, %dma_start3A_8, %dma_start3A_9] : memref<32x125x80xi32, #tpu.memory_space<hbm>> -> memref<1x125x80xi32, #tpu.memory_space<hbm>>
    %dma_start3A_11 = tpu.memref_squeeze %dma_start3A_10 : memref<1x125x80xi32, #tpu.memory_space<hbm>> -> memref<125x80xi32, #tpu.memory_space<hbm>>
    %dma_start3A_12 = arith.constant 0 : i32
    %dma_start3A_13 = arith.constant 0 : i32
    %dma_start3A_14 = tpu.memref_slice %arg4[%add3A, %dma_start3A_12, %dma_start3A_13] : memref<32x125x80xi32, #tpu.memory_space<hbm>> -> memref<1x125x80xi32, #tpu.memory_space<hbm>>
    %dma_start3A_15 = tpu.memref_squeeze %dma_start3A_14 : memref<1x125x80xi32, #tpu.memory_space<hbm>> -> memref<125x80xi32, #tpu.memory_space<hbm>>
    tpu.enqueue_dma source(%dma_start3A_15 : memref<125x80xi32, #tpu.memory_space<hbm>>) target(%arg8 : memref<125x80xi32, #tpu.memory_space<vmem>>) target_semaphore(%arg11 : memref<!tpu.dma_semaphore, #tpu.memory_space<semaphore_mem>>)
    %mul3A_16 = arith.constant 625 : i32
    %mul3A_17 = arith.muli %arg1, %mul3A_16 : i32
    %dma_start3A_18 = arith.constant 0 : i32
    %dma_start3A_19 = tpu.memref_slice %arg10[%mul3A_17, %dma_start3A_18] : memref<10000x128xf32, #tpu.memory_space<vmem_shared>> -> memref<625x128xf32, #tpu.memory_space<vmem_shared>>
    tpu.enqueue_dma source(%arg5 : memref<625x128xf32, #tpu.memory_space<hbm>>) target(%dma_start3A_19 : memref<625x128xf32, #tpu.memory_space<vmem_shared>>) target_semaphore(%arg11 : memref<!tpu.dma_semaphore, #tpu.memory_space<semaphore_mem>>)
    %dma_wait3A = arith.constant 0 : i32
    %dma_wait3A_20 = arith.constant 0 : i32
    %dma_wait3A_21 = tpu.memref_slice %arg3[%add3A, %dma_wait3A, %dma_wait3A_20] : memref<32x125x80xi32, #tpu.memory_space<hbm>> -> memref<1x125x80xi32, #tpu.memory_space<hbm>>
    %dma_wait3A_22 = tpu.memref_squeeze %dma_wait3A_21 : memref<1x125x80xi32, #tpu.memory_space<hbm>> -> memref<125x80xi32, #tpu.memory_space<hbm>>
    %dma_wait3A_23 = arith.constant 0 : i32
    %dma_wait3A_24 = arith.constant 0 : i32
    %dma_wait3A_25 = tpu.memref_slice %arg3[%add3A, %dma_wait3A_23, %dma_wait3A_24] : memref<32x125x80xi32, #tpu.memory_space<hbm>> -> memref<1x125x80xi32, #tpu.memory_space<hbm>>
    %dma_wait3A_26 = tpu.memref_squeeze %dma_wait3A_25 : memref<1x125x80xi32, #tpu.memory_space<hbm>> -> memref<125x80xi32, #tpu.memory_space<hbm>>
    tpu.wait_dma2 semaphore(%arg11 : memref<!tpu.dma_semaphore, #tpu.memory_space<semaphore_mem>>) src(%dma_wait3A_26 : memref<125x80xi32, #tpu.memory_space<hbm>>) dst(%arg7 : memref<125x80xi32, #tpu.memory_space<vmem>>)
    %dma_wait3A_27 = arith.constant 0 : i32
    %dma_wait3A_28 = arith.constant 0 : i32
    %dma_wait3A_29 = tpu.memref_slice %arg4[%add3A, %dma_wait3A_27, %dma_wait3A_28] : memref<32x125x80xi32, #tpu.memory_space<hbm>> -> memref<1x125x80xi32, #tpu.memory_space<hbm>>
    %dma_wait3A_30 = tpu.memref_squeeze %dma_wait3A_29 : memref<1x125x80xi32, #tpu.memory_space<hbm>> -> memref<125x80xi32, #tpu.memory_space<hbm>>
    %dma_wait3A_31 = arith.constant 0 : i32
    %dma_wait3A_32 = arith.constant 0 : i32
    %dma_wait3A_33 = tpu.memref_slice %arg4[%add3A, %dma_wait3A_31, %dma_wait3A_32] : memref<32x125x80xi32, #tpu.memory_space<hbm>> -> memref<1x125x80xi32, #tpu.memory_space<hbm>>
    %dma_wait3A_34 = tpu.memref_squeeze %dma_wait3A_33 : memref<1x125x80xi32, #tpu.memory_space<hbm>> -> memref<125x80xi32, #tpu.memory_space<hbm>>
    tpu.wait_dma2 semaphore(%arg11 : memref<!tpu.dma_semaphore, #tpu.memory_space<semaphore_mem>>) src(%dma_wait3A_34 : memref<125x80xi32, #tpu.memory_space<hbm>>) dst(%arg8 : memref<125x80xi32, #tpu.memory_space<vmem>>)
    %dma_wait3A_35 = arith.constant 0 : i32
    %dma_wait3A_36 = tpu.memref_slice %arg10[%mul3A_17, %dma_wait3A_35] : memref<10000x128xf32, #tpu.memory_space<vmem_shared>> -> memref<625x128xf32, #tpu.memory_space<vmem_shared>>
    tpu.wait_dma2 semaphore(%arg11 : memref<!tpu.dma_semaphore, #tpu.memory_space<semaphore_mem>>) src(%arg5 : memref<625x128xf32, #tpu.memory_space<hbm>>) dst(%dma_wait3A_36 : memref<625x128xf32, #tpu.memory_space<vmem_shared>>)
    %barrier3A = arith.constant 0 : index
    tpu.barrier barrier_id(%barrier3A)
    %scan3A = arith.constant 0 : i32
    %scan3A_37 = arith.constant 0 : i32
    %scan3A_38 = arith.constant 127 : i32
    %scan3A_39 = arith.addi %scan3A_37, %scan3A_38 : i32
    %scan3A_40 = arith.constant 1 : i32
    scf.for %scan3A_47 = %scan3A_37 to %scan3A_39 step %scan3A_40  : i32 {
      %lt3A = arith.constant 125 : i32
      %lt3A_48 = arith.cmpi slt, %scan3A_47, %lt3A : i32
      %convert_element_type3A = arith.extui %lt3A_48 : i1 to i32
      %cond3A = arith.constant 0 : i32
      %cond3A_49 = arith.cmpi ne, %convert_element_type3A, %cond3A : i32
      scf.if %cond3A_49 {
        %jit3A = arith.constant 3 : i32
        %eq3A = arith.constant 0 : i32
        %eq3A_54 = arith.cmpi eq, %jit3A, %eq3A : i32
        %jit3A_55 = arith.constant 1 : i32
        %select_n3A = arith.select %eq3A_54, %jit3A_55, %jit3A : i32
        %rem3A = arith.remsi %scan3A_47, %select_n3A : i32
        %ne3A = arith.constant 0 : i32
        %ne3A_56 = arith.cmpi ne, %rem3A, %ne3A : i32
        %lt3A_57 = arith.constant 0 : i32
        %lt3A_58 = arith.cmpi slt, %rem3A, %lt3A_57 : i32
        %lt3A_59 = arith.constant 0 : i32
        %lt3A_60 = arith.cmpi slt, %select_n3A, %lt3A_59 : i32
        %ne3A_61 = arith.xori %lt3A_58, %lt3A_60 : i1
        %and3A = arith.andi %ne3A_61, %ne3A_56 : i1
        %add3A_62 = arith.addi %rem3A, %select_n3A : i32
        %select_n3A_63 = arith.select %and3A, %add3A_62, %rem3A : i32
        %dma_start3A_64 = arith.constant 0 : i32
        %dma_start3A_65 = arith.constant 0 : i32
        %dma_start3A_66 = tpu.memref_slice %arg9[%select_n3A_63, %dma_start3A_64, %dma_start3A_65] : memref<3x80x128xf32, #tpu.memory_space<vmem>> -> memref<1x80x128xf32, #tpu.memory_space<vmem>>
        %dma_start3A_67 = tpu.memref_squeeze %dma_start3A_66 : memref<1x80x128xf32, #tpu.memory_space<vmem>> -> memref<80x128xf32, #tpu.memory_space<vmem>>
        %dma_start3A_68 = arith.constant 0 : i32
        %dma_start3A_69 = tpu.memref_slice %arg7[%scan3A_47, %dma_start3A_68] : memref<125x80xi32, #tpu.memory_space<vmem>> -> memref<1x80xi32, #tpu.memory_space<vmem>>
        %dma_start3A_70 = tpu.memref_squeeze %dma_start3A_69 : memref<1x80xi32, #tpu.memory_space<vmem>> -> memref<80xi32, #tpu.memory_space<vmem>>
        %dma_start3A_71 = arith.constant 0 : i32
        %dma_start3A_72 = arith.constant 0 : i32
        %dma_start3A_73 = tpu.memref_slice %arg2[%dma_start3A_71, %dma_start3A_72] : memref<10000x128xf32, #tpu.memory_space<hbm>> -> memref<10000x128xf32, #tpu.memory_space<hbm>>
        tpu.enqueue_indirect_dma source(%dma_start3A_73 : memref<10000x128xf32, #tpu.memory_space<hbm>>) target(%dma_start3A_67 : memref<80x128xf32, #tpu.memory_space<vmem>>) offsets(%dma_start3A_70 : memref<80xi32, #tpu.memory_space<vmem>>) semaphore(%arg11 : memref<!tpu.dma_semaphore, #tpu.memory_space<semaphore_mem>>)
      } else {
      }
      %ge3A = arith.constant 2 : i32
      %ge3A_50 = arith.cmpi sge, %scan3A_47, %ge3A : i32
      %convert_element_type3A_51 = arith.extui %ge3A_50 : i1 to i32
      %cond3A_52 = arith.constant 0 : i32
      %cond3A_53 = arith.cmpi ne, %convert_element_type3A_51, %cond3A_52 : i32
      scf.if %cond3A_53 {
        %sub3A = arith.constant 2 : i32
        %sub3A_54 = arith.subi %scan3A_47, %sub3A : i32
        %jit3A = arith.constant 3 : i32
        %eq3A = arith.constant 0 : i32
        %eq3A_55 = arith.cmpi eq, %jit3A, %eq3A : i32
        %jit3A_56 = arith.constant 1 : i32
        %select_n3A = arith.select %eq3A_55, %jit3A_56, %jit3A : i32
        %rem3A = arith.remsi %sub3A_54, %select_n3A : i32
        %ne3A = arith.constant 0 : i32
        %ne3A_57 = arith.cmpi ne, %rem3A, %ne3A : i32
        %lt3A_58 = arith.constant 0 : i32
        %lt3A_59 = arith.cmpi slt, %rem3A, %lt3A_58 : i32
        %lt3A_60 = arith.constant 0 : i32
        %lt3A_61 = arith.cmpi slt, %select_n3A, %lt3A_60 : i32
        %ne3A_62 = arith.xori %lt3A_59, %lt3A_61 : i1
        %and3A = arith.andi %ne3A_62, %ne3A_57 : i1
        %add3A_63 = arith.addi %rem3A, %select_n3A : i32
        %select_n3A_64 = arith.select %and3A, %add3A_63, %rem3A : i32
        %dma_wait3A_65 = arith.constant 0 : i32
        %dma_wait3A_66 = arith.constant 0 : i32
        %dma_wait3A_67 = tpu.memref_slice %arg9[%select_n3A_64, %dma_wait3A_65, %dma_wait3A_66] : memref<3x80x128xf32, #tpu.memory_space<vmem>> -> memref<1x80x128xf32, #tpu.memory_space<vmem>>
        %dma_wait3A_68 = tpu.memref_squeeze %dma_wait3A_67 : memref<1x80x128xf32, #tpu.memory_space<vmem>> -> memref<80x128xf32, #tpu.memory_space<vmem>>
        %dma_wait3A_69 = arith.constant 0 : i32
        %dma_wait3A_70 = tpu.memref_slice %arg7[%sub3A_54, %dma_wait3A_69] : memref<125x80xi32, #tpu.memory_space<vmem>> -> memref<1x80xi32, #tpu.memory_space<vmem>>
        %dma_wait3A_71 = tpu.memref_squeeze %dma_wait3A_70 : memref<1x80xi32, #tpu.memory_space<vmem>> -> memref<80xi32, #tpu.memory_space<vmem>>
        %dma_wait3A_72 = arith.constant 0 : i32
        %dma_wait3A_73 = arith.constant 0 : i32
        %dma_wait3A_74 = tpu.memref_slice %arg2[%dma_wait3A_72, %dma_wait3A_73] : memref<10000x128xf32, #tpu.memory_space<hbm>> -> memref<10000x128xf32, #tpu.memory_space<hbm>>
        tpu.wait_indirect_dma semaphore(%arg11 : memref<!tpu.dma_semaphore, #tpu.memory_space<semaphore_mem>>) src(%dma_wait3A_74 : memref<10000x128xf32, #tpu.memory_space<hbm>>) dst(%dma_wait3A_68 : memref<80x128xf32, #tpu.memory_space<vmem>>)
        %jit3A_75 = arith.constant 3 : i32
        %eq3A_76 = arith.constant 0 : i32
        %eq3A_77 = arith.cmpi eq, %jit3A_75, %eq3A_76 : i32
        %jit3A_78 = arith.constant 1 : i32
        %select_n3A_79 = arith.select %eq3A_77, %jit3A_78, %jit3A_75 : i32
        %rem3A_80 = arith.remsi %sub3A_54, %select_n3A_79 : i32
        %ne3A_81 = arith.constant 0 : i32
        %ne3A_82 = arith.cmpi ne, %rem3A_80, %ne3A_81 : i32
        %lt3A_83 = arith.constant 0 : i32
        %lt3A_84 = arith.cmpi slt, %rem3A_80, %lt3A_83 : i32
        %lt3A_85 = arith.constant 0 : i32
        %lt3A_86 = arith.cmpi slt, %select_n3A_79, %lt3A_85 : i32
        %ne3A_87 = arith.xori %lt3A_84, %lt3A_86 : i1
        %and3A_88 = arith.andi %ne3A_87, %ne3A_82 : i1
        %add3A_89 = arith.addi %rem3A_80, %select_n3A_79 : i32
        %select_n3A_90 = arith.select %and3A_88, %add3A_89, %rem3A_80 : i32
        "tpu.region"() ({
          %run_scoped3A = tpu.sem_alloc : memref<!tpu.dma_semaphore, #tpu.memory_space<semaphore_mem>>
          %dma_start3A_91 = arith.constant 0 : i32
          %dma_start3A_92 = arith.constant 0 : i32
          %dma_start3A_93 = tpu.memref_slice %arg9[%select_n3A_90, %dma_start3A_91, %dma_start3A_92] : memref<3x80x128xf32, #tpu.memory_space<vmem>> -> memref<1x80x128xf32, #tpu.memory_space<vmem>>
          %dma_start3A_94 = tpu.memref_squeeze %dma_start3A_93 : memref<1x80x128xf32, #tpu.memory_space<vmem>> -> memref<80x128xf32, #tpu.memory_space<vmem>>
          %dma_start3A_95 = arith.constant 0 : i32
          %dma_start3A_96 = tpu.memref_slice %arg8[%sub3A_54, %dma_start3A_95] : memref<125x80xi32, #tpu.memory_space<vmem>> -> memref<1x80xi32, #tpu.memory_space<vmem>>
          %dma_start3A_97 = tpu.memref_squeeze %dma_start3A_96 : memref<1x80xi32, #tpu.memory_space<vmem>> -> memref<80xi32, #tpu.memory_space<vmem>>
          %dma_start3A_98 = arith.constant 0 : i32
          %dma_start3A_99 = arith.constant 0 : i32
          %dma_start3A_100 = tpu.memref_slice %arg10[%dma_start3A_98, %dma_start3A_99] : memref<10000x128xf32, #tpu.memory_space<vmem_shared>> -> memref<10000x128xf32, #tpu.memory_space<vmem_shared>>
          tpu.enqueue_indirect_dma source(%dma_start3A_94 : memref<80x128xf32, #tpu.memory_space<vmem>>) target(%dma_start3A_100 : memref<10000x128xf32, #tpu.memory_space<vmem_shared>>) offsets(%dma_start3A_97 : memref<80xi32, #tpu.memory_space<vmem>>) semaphore(%run_scoped3A : memref<!tpu.dma_semaphore, #tpu.memory_space<semaphore_mem>>) {add = true}
          %dma_wait3A_101 = arith.constant 0 : i32
          %dma_wait3A_102 = arith.constant 0 : i32
          %dma_wait3A_103 = tpu.memref_slice %arg9[%select_n3A_90, %dma_wait3A_101, %dma_wait3A_102] : memref<3x80x128xf32, #tpu.memory_space<vmem>> -> memref<1x80x128xf32, #tpu.memory_space<vmem>>
          %dma_wait3A_104 = tpu.memref_squeeze %dma_wait3A_103 : memref<1x80x128xf32, #tpu.memory_space<vmem>> -> memref<80x128xf32, #tpu.memory_space<vmem>>
          %dma_wait3A_105 = arith.constant 0 : i32
          %dma_wait3A_106 = tpu.memref_slice %arg8[%sub3A_54, %dma_wait3A_105] : memref<125x80xi32, #tpu.memory_space<vmem>> -> memref<1x80xi32, #tpu.memory_space<vmem>>
          %dma_wait3A_107 = tpu.memref_squeeze %dma_wait3A_106 : memref<1x80xi32, #tpu.memory_space<vmem>> -> memref<80xi32, #tpu.memory_space<vmem>>
          %dma_wait3A_108 = arith.constant 0 : i32
          %dma_wait3A_109 = arith.constant 0 : i32
          %dma_wait3A_110 = tpu.memref_slice %arg10[%dma_wait3A_108, %dma_wait3A_109] : memref<10000x128xf32, #tpu.memory_space<vmem_shared>> -> memref<10000x128xf32, #tpu.memory_space<vmem_shared>>
          tpu.wait_indirect_dma semaphore(%run_scoped3A : memref<!tpu.dma_semaphore, #tpu.memory_space<semaphore_mem>>) src(%dma_wait3A_104 : memref<80x128xf32, #tpu.memory_space<vmem>>) dst(%dma_wait3A_110 : memref<10000x128xf32, #tpu.memory_space<vmem_shared>>)
          tpu.yield
        }) : () -> ()
      } else {
      }
    }
    %scan3A_41 = arith.constant 127 : i32
    %barrier3A_42 = arith.constant 0 : index
    tpu.barrier barrier_id(%barrier3A_42)
    %mul3A_43 = arith.constant 625 : i32
    %mul3A_44 = arith.muli %arg1, %mul3A_43 : i32
    %mul3A_45 = arith.constant 625 : i32
    %mul3A_46 = arith.muli %arg1, %mul3A_45 : i32
    "tpu.region"() ({
      %run_scoped3A = tpu.sem_alloc : memref<!tpu.dma_semaphore, #tpu.memory_space<semaphore_mem>>
      %dma_start3A_47 = arith.constant 0 : i32
      %dma_start3A_48 = tpu.memref_slice %arg6[%arg0, %mul3A_46, %dma_start3A_47] : memref<2x10000x128xf32, #tpu.memory_space<hbm>> -> memref<1x625x128xf32, #tpu.memory_space<hbm>>
      %dma_start3A_49 = tpu.memref_squeeze %dma_start3A_48 : memref<1x625x128xf32, #tpu.memory_space<hbm>> -> memref<625x128xf32, #tpu.memory_space<hbm>>
      %dma_start3A_50 = arith.constant 0 : i32
      %dma_start3A_51 = tpu.memref_slice %arg10[%mul3A_44, %dma_start3A_50] : memref<10000x128xf32, #tpu.memory_space<vmem_shared>> -> memref<625x128xf32, #tpu.memory_space<vmem_shared>>
      tpu.enqueue_dma source(%dma_start3A_51 : memref<625x128xf32, #tpu.memory_space<vmem_shared>>) target(%dma_start3A_49 : memref<625x128xf32, #tpu.memory_space<hbm>>) target_semaphore(%run_scoped3A : memref<!tpu.dma_semaphore, #tpu.memory_space<semaphore_mem>>)
      %dma_wait3A_52 = arith.constant 0 : i32
      %dma_wait3A_53 = tpu.memref_slice %arg6[%arg0, %mul3A_46, %dma_wait3A_52] : memref<2x10000x128xf32, #tpu.memory_space<hbm>> -> memref<1x625x128xf32, #tpu.memory_space<hbm>>
      %dma_wait3A_54 = tpu.memref_squeeze %dma_wait3A_53 : memref<1x625x128xf32, #tpu.memory_space<hbm>> -> memref<625x128xf32, #tpu.memory_space<hbm>>
      %dma_wait3A_55 = arith.constant 0 : i32
      %dma_wait3A_56 = tpu.memref_slice %arg10[%mul3A_44, %dma_wait3A_55] : memref<10000x128xf32, #tpu.memory_space<vmem_shared>> -> memref<625x128xf32, #tpu.memory_space<vmem_shared>>
      tpu.wait_dma2 semaphore(%run_scoped3A : memref<!tpu.dma_semaphore, #tpu.memory_space<semaphore_mem>>) src(%dma_wait3A_56 : memref<625x128xf32, #tpu.memory_space<vmem_shared>>) dst(%dma_wait3A_54 : memref<625x128xf32, #tpu.memory_space<hbm>>)
      tpu.yield
    }) : () -> ()
    return
  }
}

module attributes {stable_mosaic.version = 14 : i64} {
  func.func @_dense1_body(%arg0: i32, %arg1: memref<2000x128xf32, #tpu.memory_space<vmem>>, %arg2: memref<2x2000x128xf32, #tpu.memory_space<vmem>>, %arg3: memref<2x2000x16xf32, #tpu.memory_space<vmem>>, %arg4: memref<128x128xf32, #tpu.memory_space<vmem>>, %arg5: memref<1x128xf32, #tpu.memory_space<vmem>>, %arg6: memref<128x128xf32, #tpu.memory_space<vmem>>, %arg7: memref<1x128xf32, #tpu.memory_space<vmem>>, %arg8: memref<1x128xf32, #tpu.memory_space<vmem>>, %arg9: memref<1x128xf32, #tpu.memory_space<vmem>>, %arg10: memref<1x128xf32, #tpu.memory_space<vmem>>, %arg11: memref<2000x128xf32, #tpu.memory_space<vmem>>) attributes {dimension_semantics = [#tpu.dimension_semantics<arbitrary>], iteration_bounds = array<i64: 5>, scalar_prefetch = 0 : i64, scratch_operands = 0 : i64, tpu.core_type = #tpu.core_type<tc>, window_params = [{transform_indices = @transform_0, window_bounds = array<i64: 2000, 128>}, {transform_indices = @transform_1, window_bounds = array<i64: 2, 2000, 128>}, {transform_indices = @transform_2, window_bounds = array<i64: 2, 2000, 16>}, {pipeline_mode = #tpu.pipeline_mode<synchronous>, transform_indices = @transform_3, window_bounds = array<i64: 128, 128>}, {pipeline_mode = #tpu.pipeline_mode<synchronous>, transform_indices = @transform_4, window_bounds = array<i64: 1, 128>}, {pipeline_mode = #tpu.pipeline_mode<synchronous>, transform_indices = @transform_5, window_bounds = array<i64: 128, 128>}, {pipeline_mode = #tpu.pipeline_mode<synchronous>, transform_indices = @transform_6, window_bounds = array<i64: 1, 128>}, {pipeline_mode = #tpu.pipeline_mode<synchronous>, transform_indices = @transform_7, window_bounds = array<i64: 1, 128>}, {pipeline_mode = #tpu.pipeline_mode<synchronous>, transform_indices = @transform_8, window_bounds = array<i64: 1, 128>}, {pipeline_mode = #tpu.pipeline_mode<synchronous>, transform_indices = @transform_9, window_bounds = array<i64: 1, 128>}, {transform_indices = @transform_10, window_bounds = array<i64: 2000, 128>}]} {
    %get3A = arith.constant 0 : index
    %get3A_0 = arith.constant 0 : index
    %get3A_1 = arith.constant 0 : index
    %get3A_2 = vector.load %arg2[%get3A, %get3A_0, %get3A_1] : memref<2x2000x128xf32, #tpu.memory_space<vmem>>, vector<1x2000x128xf32>
    %get3A_3 = vector.shape_cast %get3A_2 : vector<1x2000x128xf32> to vector<2000x128xf32>
    %get3A_4 = arith.constant 1 : index
    %get3A_5 = arith.constant 0 : index
    %get3A_6 = arith.constant 0 : index
    %get3A_7 = vector.load %arg2[%get3A_4, %get3A_5, %get3A_6] : memref<2x2000x128xf32, #tpu.memory_space<vmem>>, vector<1x2000x128xf32>
    %get3A_8 = vector.shape_cast %get3A_7 : vector<1x2000x128xf32> to vector<2000x128xf32>
    %add3A = arith.addf %get3A_3, %get3A_8 : vector<2000x128xf32>
    %get3A_9 = arith.constant 0 : index
    %get3A_10 = arith.constant 0 : index
    %get3A_11 = arith.constant 0 : index
    %get3A_12 = vector.load %arg3[%get3A_9, %get3A_10, %get3A_11] : memref<2x2000x16xf32, #tpu.memory_space<vmem>>, vector<1x2000x1xf32>
    %get3A_13 = vector.shape_cast %get3A_12 : vector<1x2000x1xf32> to vector<2000x1xf32>
    %get3A_14 = arith.constant 1 : index
    %get3A_15 = arith.constant 0 : index
    %get3A_16 = arith.constant 0 : index
    %get3A_17 = vector.load %arg3[%get3A_14, %get3A_15, %get3A_16] : memref<2x2000x16xf32, #tpu.memory_space<vmem>>, vector<1x2000x1xf32>
    %get3A_18 = vector.shape_cast %get3A_17 : vector<1x2000x1xf32> to vector<2000x1xf32>
    %add3A_19 = arith.addf %get3A_13, %get3A_18 : vector<2000x1xf32>
    %max3A = arith.constant 1.000000e+00 : f32
    %max3A_20 = vector.broadcast %max3A : f32 to vector<2000x1xf32>
    %max3A_21 = arith.maximumf %add3A_19, %max3A_20 : vector<2000x1xf32>
    %div3A = vector.broadcast %max3A_21 : vector<2000x1xf32> to vector<2000x128xf32>
    %div3A_22 = arith.divf %add3A, %div3A : vector<2000x128xf32>
    %get3A_23 = arith.constant 0 : index
    %get3A_24 = arith.constant 0 : index
    %get3A_25 = vector.load %arg4[%get3A_23, %get3A_24] : memref<128x128xf32, #tpu.memory_space<vmem>>, vector<128x128xf32>
    %dot_general3A = arith.constant dense<0.000000e+00> : vector<2000x128xf32>
    %dot_general3A_26 = tpu.matmul %div3A_22, %get3A_25, %dot_general3A {dimension_numbers = #tpu.dot_dimension_numbers<[1], [1], [0], [0], [0, 0, 1, 0], [], []>, transpose_lhs_hint = false} : vector<2000x128xf32>, vector<128x128xf32>, vector<2000x128xf32> -> vector<2000x128xf32>
    %get3A_27 = arith.constant 0 : index
    %get3A_28 = arith.constant 0 : index
    %get3A_29 = vector.load %arg5[%get3A_27, %get3A_28] : memref<1x128xf32, #tpu.memory_space<vmem>>, vector<1x128xf32>
    %add3A_30 = vector.broadcast %get3A_29 : vector<1x128xf32> to vector<2000x128xf32>
    %add3A_31 = arith.addf %dot_general3A_26, %add3A_30 : vector<2000x128xf32>
    %get3A_32 = arith.constant 0 : index
    %get3A_33 = arith.constant 0 : index
    %get3A_34 = vector.load %arg1[%get3A_32, %get3A_33] : memref<2000x128xf32, #tpu.memory_space<vmem>>, vector<2000x128xf32>
    %get3A_35 = arith.constant 0 : index
    %get3A_36 = arith.constant 0 : index
    %get3A_37 = vector.load %arg6[%get3A_35, %get3A_36] : memref<128x128xf32, #tpu.memory_space<vmem>>, vector<128x128xf32>
    %dot_general3A_38 = arith.constant dense<0.000000e+00> : vector<2000x128xf32>
    %dot_general3A_39 = tpu.matmul %get3A_34, %get3A_37, %dot_general3A_38 {dimension_numbers = #tpu.dot_dimension_numbers<[1], [1], [0], [0], [0, 0, 1, 0], [], []>, transpose_lhs_hint = false} : vector<2000x128xf32>, vector<128x128xf32>, vector<2000x128xf32> -> vector<2000x128xf32>
    %add3A_40 = arith.addf %add3A_31, %dot_general3A_39 : vector<2000x128xf32>
    %get3A_41 = arith.constant 0 : index
    %get3A_42 = arith.constant 0 : index
    %get3A_43 = vector.load %arg7[%get3A_41, %get3A_42] : memref<1x128xf32, #tpu.memory_space<vmem>>, vector<1x128xf32>
    %get3A_44 = arith.constant 0 : index
    %get3A_45 = arith.constant 0 : index
    %get3A_46 = vector.load %arg10[%get3A_44, %get3A_45] : memref<1x128xf32, #tpu.memory_space<vmem>>, vector<1x128xf32>
    %add3A_47 = arith.constant 9.99999974E-6 : f32
    %add3A_48 = vector.broadcast %add3A_47 : f32 to vector<1x128xf32>
    %add3A_49 = arith.addf %get3A_46, %add3A_48 : vector<1x128xf32>
    %rsqrt3A = math.rsqrt %add3A_49 : vector<1x128xf32>
    %mul3A = arith.mulf %get3A_43, %rsqrt3A : vector<1x128xf32>
    %get3A_50 = arith.constant 0 : index
    %get3A_51 = arith.constant 0 : index
    %get3A_52 = vector.load %arg9[%get3A_50, %get3A_51] : memref<1x128xf32, #tpu.memory_space<vmem>>, vector<1x128xf32>
    %sub3A = vector.broadcast %get3A_52 : vector<1x128xf32> to vector<2000x128xf32>
    %sub3A_53 = arith.subf %add3A_40, %sub3A : vector<2000x128xf32>
    %mul3A_54 = vector.broadcast %mul3A : vector<1x128xf32> to vector<2000x128xf32>
    %mul3A_55 = arith.mulf %sub3A_53, %mul3A_54 : vector<2000x128xf32>
    %get3A_56 = arith.constant 0 : index
    %get3A_57 = arith.constant 0 : index
    %get3A_58 = vector.load %arg8[%get3A_56, %get3A_57] : memref<1x128xf32, #tpu.memory_space<vmem>>, vector<1x128xf32>
    %add3A_59 = vector.broadcast %get3A_58 : vector<1x128xf32> to vector<2000x128xf32>
    %add3A_60 = arith.addf %mul3A_55, %add3A_59 : vector<2000x128xf32>
    %max3A_61 = arith.constant 0.000000e+00 : f32
    %max3A_62 = vector.broadcast %max3A_61 : f32 to vector<2000x128xf32>
    %max3A_63 = arith.maximumf %add3A_60, %max3A_62 : vector<2000x128xf32>
    %swap3A = arith.constant 0 : index
    %swap3A_64 = arith.constant 0 : index
    %swap3A_65 = vector.load %arg11[%swap3A, %swap3A_64] : memref<2000x128xf32, #tpu.memory_space<vmem>>, vector<2000x128xf32>
    tpu.vector_store %arg11[%swap3A, %swap3A_64], %max3A_63 {strides = array<i32>} : memref<2000x128xf32, #tpu.memory_space<vmem>>, vector<2000x128xf32>,
    return
  }
  func.func @transform_0(%arg0: i32) -> (i32, i32) {
    %c0_i32 = arith.constant 0 : i32
    %c0_i32_0 = arith.constant 0 : i32
    return %arg0, %c0_i32 : i32, i32
  }
  func.func @transform_1(%arg0: i32) -> (i32, i32, i32) {
    %c0_i32 = arith.constant 0 : i32
    %c0_i32_0 = arith.constant 0 : i32
    %c0_i32_1 = arith.constant 0 : i32
    return %c0_i32, %arg0, %c0_i32_0 : i32, i32, i32
  }
  func.func @transform_2(%arg0: i32) -> (i32, i32, i32) {
    %c0_i32 = arith.constant 0 : i32
    %c0_i32_0 = arith.constant 0 : i32
    %c0_i32_1 = arith.constant 0 : i32
    return %c0_i32, %arg0, %c0_i32_0 : i32, i32, i32
  }
  func.func @transform_3(%arg0: i32) -> (i32, i32) {
    %c0_i32 = arith.constant 0 : i32
    %c0_i32_0 = arith.constant 0 : i32
    %c0_i32_1 = arith.constant 0 : i32
    return %c0_i32, %c0_i32_0 : i32, i32
  }
  func.func @transform_4(%arg0: i32) -> (i32, i32) {
    %c0_i32 = arith.constant 0 : i32
    %c0_i32_0 = arith.constant 0 : i32
    %c0_i32_1 = arith.constant 0 : i32
    return %c0_i32, %c0_i32_0 : i32, i32
  }
  func.func @transform_5(%arg0: i32) -> (i32, i32) {
    %c0_i32 = arith.constant 0 : i32
    %c0_i32_0 = arith.constant 0 : i32
    %c0_i32_1 = arith.constant 0 : i32
    return %c0_i32, %c0_i32_0 : i32, i32
  }
  func.func @transform_6(%arg0: i32) -> (i32, i32) {
    %c0_i32 = arith.constant 0 : i32
    %c0_i32_0 = arith.constant 0 : i32
    %c0_i32_1 = arith.constant 0 : i32
    return %c0_i32, %c0_i32_0 : i32, i32
  }
  func.func @transform_7(%arg0: i32) -> (i32, i32) {
    %c0_i32 = arith.constant 0 : i32
    %c0_i32_0 = arith.constant 0 : i32
    %c0_i32_1 = arith.constant 0 : i32
    return %c0_i32, %c0_i32_0 : i32, i32
  }
  func.func @transform_8(%arg0: i32) -> (i32, i32) {
    %c0_i32 = arith.constant 0 : i32
    %c0_i32_0 = arith.constant 0 : i32
    %c0_i32_1 = arith.constant 0 : i32
    return %c0_i32, %c0_i32_0 : i32, i32
  }
  func.func @transform_9(%arg0: i32) -> (i32, i32) {
    %c0_i32 = arith.constant 0 : i32
    %c0_i32_0 = arith.constant 0 : i32
    %c0_i32_1 = arith.constant 0 : i32
    return %c0_i32, %c0_i32_0 : i32, i32
  }
  func.func @transform_10(%arg0: i32) -> (i32, i32) {
    %c0_i32 = arith.constant 0 : i32
    %c0_i32_0 = arith.constant 0 : i32
    return %arg0, %c0_i32 : i32, i32
  }
}

module attributes {stable_mosaic.version = 14 : i64} {
  func.func @_dense2_body(%arg0: i32, %arg1: memref<2000x128xf32, #tpu.memory_space<vmem>>, %arg2: memref<2x2000x128xf32, #tpu.memory_space<vmem>>, %arg3: memref<2x2000x16xf32, #tpu.memory_space<vmem>>, %arg4: memref<128x128xf32, #tpu.memory_space<vmem>>, %arg5: memref<1x128xf32, #tpu.memory_space<vmem>>, %arg6: memref<128x128xf32, #tpu.memory_space<vmem>>, %arg7: memref<2000x128xf32, #tpu.memory_space<vmem>>) attributes {dimension_semantics = [#tpu.dimension_semantics<arbitrary>], iteration_bounds = array<i64: 5>, scalar_prefetch = 0 : i64, scratch_operands = 0 : i64, tpu.core_type = #tpu.core_type<tc>, window_params = [{transform_indices = @transform_0, window_bounds = array<i64: 2000, 128>}, {transform_indices = @transform_1, window_bounds = array<i64: 2, 2000, 128>}, {transform_indices = @transform_2, window_bounds = array<i64: 2, 2000, 16>}, {pipeline_mode = #tpu.pipeline_mode<synchronous>, transform_indices = @transform_3, window_bounds = array<i64: 128, 128>}, {pipeline_mode = #tpu.pipeline_mode<synchronous>, transform_indices = @transform_4, window_bounds = array<i64: 1, 128>}, {pipeline_mode = #tpu.pipeline_mode<synchronous>, transform_indices = @transform_5, window_bounds = array<i64: 128, 128>}, {transform_indices = @transform_6, window_bounds = array<i64: 2000, 128>}]} {
    %get3A = arith.constant 0 : index
    %get3A_0 = arith.constant 0 : index
    %get3A_1 = arith.constant 0 : index
    %get3A_2 = vector.load %arg2[%get3A, %get3A_0, %get3A_1] : memref<2x2000x128xf32, #tpu.memory_space<vmem>>, vector<1x2000x128xf32>
    %get3A_3 = vector.shape_cast %get3A_2 : vector<1x2000x128xf32> to vector<2000x128xf32>
    %get3A_4 = arith.constant 1 : index
    %get3A_5 = arith.constant 0 : index
    %get3A_6 = arith.constant 0 : index
    %get3A_7 = vector.load %arg2[%get3A_4, %get3A_5, %get3A_6] : memref<2x2000x128xf32, #tpu.memory_space<vmem>>, vector<1x2000x128xf32>
    %get3A_8 = vector.shape_cast %get3A_7 : vector<1x2000x128xf32> to vector<2000x128xf32>
    %add3A = arith.addf %get3A_3, %get3A_8 : vector<2000x128xf32>
    %get3A_9 = arith.constant 0 : index
    %get3A_10 = arith.constant 0 : index
    %get3A_11 = arith.constant 0 : index
    %get3A_12 = vector.load %arg3[%get3A_9, %get3A_10, %get3A_11] : memref<2x2000x16xf32, #tpu.memory_space<vmem>>, vector<1x2000x1xf32>
    %get3A_13 = vector.shape_cast %get3A_12 : vector<1x2000x1xf32> to vector<2000x1xf32>
    %get3A_14 = arith.constant 1 : index
    %get3A_15 = arith.constant 0 : index
    %get3A_16 = arith.constant 0 : index
    %get3A_17 = vector.load %arg3[%get3A_14, %get3A_15, %get3A_16] : memref<2x2000x16xf32, #tpu.memory_space<vmem>>, vector<1x2000x1xf32>
    %get3A_18 = vector.shape_cast %get3A_17 : vector<1x2000x1xf32> to vector<2000x1xf32>
    %add3A_19 = arith.addf %get3A_13, %get3A_18 : vector<2000x1xf32>
    %max3A = arith.constant 1.000000e+00 : f32
    %max3A_20 = vector.broadcast %max3A : f32 to vector<2000x1xf32>
    %max3A_21 = arith.maximumf %add3A_19, %max3A_20 : vector<2000x1xf32>
    %div3A = vector.broadcast %max3A_21 : vector<2000x1xf32> to vector<2000x128xf32>
    %div3A_22 = arith.divf %add3A, %div3A : vector<2000x128xf32>
    %get3A_23 = arith.constant 0 : index
    %get3A_24 = arith.constant 0 : index
    %get3A_25 = vector.load %arg4[%get3A_23, %get3A_24] : memref<128x128xf32, #tpu.memory_space<vmem>>, vector<128x128xf32>
    %dot_general3A = arith.constant dense<0.000000e+00> : vector<2000x128xf32>
    %dot_general3A_26 = tpu.matmul %div3A_22, %get3A_25, %dot_general3A {dimension_numbers = #tpu.dot_dimension_numbers<[1], [1], [0], [0], [0, 0, 1, 0], [], []>, transpose_lhs_hint = false} : vector<2000x128xf32>, vector<128x128xf32>, vector<2000x128xf32> -> vector<2000x128xf32>
    %get3A_27 = arith.constant 0 : index
    %get3A_28 = arith.constant 0 : index
    %get3A_29 = vector.load %arg5[%get3A_27, %get3A_28] : memref<1x128xf32, #tpu.memory_space<vmem>>, vector<1x128xf32>
    %add3A_30 = vector.broadcast %get3A_29 : vector<1x128xf32> to vector<2000x128xf32>
    %add3A_31 = arith.addf %dot_general3A_26, %add3A_30 : vector<2000x128xf32>
    %get3A_32 = arith.constant 0 : index
    %get3A_33 = arith.constant 0 : index
    %get3A_34 = vector.load %arg1[%get3A_32, %get3A_33] : memref<2000x128xf32, #tpu.memory_space<vmem>>, vector<2000x128xf32>
    %get3A_35 = arith.constant 0 : index
    %get3A_36 = arith.constant 0 : index
    %get3A_37 = vector.load %arg6[%get3A_35, %get3A_36] : memref<128x128xf32, #tpu.memory_space<vmem>>, vector<128x128xf32>
    %dot_general3A_38 = arith.constant dense<0.000000e+00> : vector<2000x128xf32>
    %dot_general3A_39 = tpu.matmul %get3A_34, %get3A_37, %dot_general3A_38 {dimension_numbers = #tpu.dot_dimension_numbers<[1], [1], [0], [0], [0, 0, 1, 0], [], []>, transpose_lhs_hint = false} : vector<2000x128xf32>, vector<128x128xf32>, vector<2000x128xf32> -> vector<2000x128xf32>
    %add3A_40 = arith.addf %add3A_31, %dot_general3A_39 : vector<2000x128xf32>
    %swap3A = arith.constant 0 : index
    %swap3A_41 = arith.constant 0 : index
    %swap3A_42 = vector.load %arg7[%swap3A, %swap3A_41] : memref<2000x128xf32, #tpu.memory_space<vmem>>, vector<2000x128xf32>
    tpu.vector_store %arg7[%swap3A, %swap3A_41], %add3A_40 {strides = array<i32>} : memref<2000x128xf32, #tpu.memory_space<vmem>>, vector<2000x128xf32>,
    return
  }
  func.func @transform_0(%arg0: i32) -> (i32, i32) {
    %c0_i32 = arith.constant 0 : i32
    %c0_i32_0 = arith.constant 0 : i32
    return %arg0, %c0_i32 : i32, i32
  }
  func.func @transform_1(%arg0: i32) -> (i32, i32, i32) {
    %c0_i32 = arith.constant 0 : i32
    %c0_i32_0 = arith.constant 0 : i32
    %c0_i32_1 = arith.constant 0 : i32
    return %c0_i32, %arg0, %c0_i32_0 : i32, i32, i32
  }
  func.func @transform_2(%arg0: i32) -> (i32, i32, i32) {
    %c0_i32 = arith.constant 0 : i32
    %c0_i32_0 = arith.constant 0 : i32
    %c0_i32_1 = arith.constant 0 : i32
    return %c0_i32, %arg0, %c0_i32_0 : i32, i32, i32
  }
  func.func @transform_3(%arg0: i32) -> (i32, i32) {
    %c0_i32 = arith.constant 0 : i32
    %c0_i32_0 = arith.constant 0 : i32
    %c0_i32_1 = arith.constant 0 : i32
    return %c0_i32, %c0_i32_0 : i32, i32
  }
  func.func @transform_4(%arg0: i32) -> (i32, i32) {
    %c0_i32 = arith.constant 0 : i32
    %c0_i32_0 = arith.constant 0 : i32
    %c0_i32_1 = arith.constant 0 : i32
    return %c0_i32, %c0_i32_0 : i32, i32
  }
  func.func @transform_5(%arg0: i32) -> (i32, i32) {
    %c0_i32 = arith.constant 0 : i32
    %c0_i32_0 = arith.constant 0 : i32
    %c0_i32_1 = arith.constant 0 : i32
    return %c0_i32, %c0_i32_0 : i32, i32
  }
  func.func @transform_6(%arg0: i32) -> (i32, i32) {
    %c0_i32 = arith.constant 0 : i32
    %c0_i32_0 = arith.constant 0 : i32
    return %arg0, %c0_i32 : i32, i32
  }
}

</mosaic_0001>

<sc_bundles>
// kernel: kernel.10.cloned.1.call-start
scs
__scs_entry_jumppad:
0x0: {  	(pc) =	sbr.rel $0x88, $3  }
0x1: {  	(tag) =	ssettag $0x0;
	lr =	simm.s32 $0x1  }
0x2: {  	[smem:$0x3F95] =	sst lr;
	_ =	strace $0xD0000000  }
0x3: {  	_ = 	snop  }
0x4: {  	_ = 	snop  }
0x5: {  	_ = 	snop  }
0x6: {  	_ = 	snop  }
0x7: {  	_ = 	snop  }
__scs_overlays_trampoline_lowered:
0x8: {  	[smem:$0x3FA4] =	sst s0  }
0x9: {  	[smem:$0x3FA5] =	sst s1  }
0xa: {  	[smem:$0x3FA6] =	sst s2  }
0xb: {  	[smem:$0x3FA7] =	sst s3  }
0xc: {  	[smem:$0x3FA8] =	sst s4  }
0xd: {  	[smem:$0x3FA9] =	sst s5  }
0xe: {  	[smem:$0x3FAA] =	sst s6  }
0xf: {  	[smem:$0x3FAB] =	sst s7  }
0x10: {  	[smem:$0x3FAC] =	sst s8  }
0x11: {  	[smem:$0x3FAD] =	sst s9;
	s0 =	simm.s32 @!p0 $0x0  }
0x12: {  	s1 =	sld [smem:$0x3F93];
	s0 =	simm.s32 @p0 $0x1  }
0x13: {  	[smem:$0x3FAE] =	sst s0;
	s0 =	simm.s32 @!p1 $0x0  }
0x14: {  	s2 =	sld [smem:$0x3F92];
	s0 =	simm.s32 @p1 $0x1  }
0x15: {  	[smem:$0x3FAF] =	sst s0;
	s0 =	simm.s32 @!p2 $0x0  }
0x16: {  	s3 =	sld [smem:$0x3FDB];
	s0 =	simm.s32 @p2 $0x1  }
0x17: {  	s4 =	simm.s32 $0x1BF5;
	[smem:$0x3FB1] =	sst s0  }
0x18: {  	s0 =	sld [smem:$0x3F94];
	_ =	swait.ge [sflag:s4], $0x0  }
0x19: {  	s7 =	sld [smem:$0x3F95]  }
0x1a: {  	s8 =	sadd.s32 $0xFFFFE003, lr  }
0x1b: {  	s9 =	sadd.s32 $0xFFFFFEF7, lr;
	s5 =	simm.s32 $0xFFFFFFFF;
	p2 =	slt.u32 s8, $0xFFFFF086  }
0x1c: {  	p1 =	slt.u32 s9, $0xF7A;
	s5 =	simm.s32 @!p2 $0x0  }
0x1d: {  	s5 =	simm.s32 @p1 $0x1;
	p0 =	seq.s32 s7, s2  }
0x1e: {  	s7 =	smul.u32 @!p0 $0xF7A, s2;
	p2 =	seq.s32 @!p0 s5, $0x0  }
0x1f: {  	s9 =	smul.u32 $0xF7A, s1;
	s8 =	simm.s32 @!p0 $0x1BF5;
	p2 =	por !p2, p0  }
0x20: {  	[sflag:s8] =	ssyncset.s32 @!p0 $0xFFFFF086;
	s6 =	sadd.s32 @!p0 s3, s7;
	s7 =	simm.s32 @!p0 $0x108  }
0x21: {  	s3 =	sadd.s32 s3, s9;
	s6 =	sadd.s32 @!p0 $0x88, s6;
	s7 =	simm.s32 @p2 $0x1082  }
0x22: {  	[simem:s7], [sflag:s8] =	dma.local @!p0 [hbm:s6], $0xF7A  }
0x23: {  	s9 =	sor.u32 $0xD0000000, s2;
	s6 =	simm.s32 $0x108;
	_ =	swait.ge @!p0 [sflag:s8], $0x0  }
0x24: {  	s3 =	sadd.s32 $0x88, s3;
	s6 =	simm.s32 @!p1 $0x1082;
	[sflag:s4] =	ssyncset.s32 $0xFFFFF086  }
0x25: {  	[simem:s6], [sflag:s4] =	dma.local [hbm:s3], $0xF7A  }
0x26: {  	[smem:$0x3F95] =	sst s1;
	(tag) =	ssettag s2;
	_ =	strace s9  }
0x27: {  	s1 =	sld [smem:$0x3FA5]  }
0x28: {  	s2 =	sld [smem:$0x3FA6]  }
0x29: {  	s4 =	sld [smem:$0x3FA8]  }
0x2a: {  	p0 =	seq.s32 s5, $0x0;
	s5 =	sld [smem:$0x3FA9]  }
0x2b: {  	s6 =	sld [smem:$0x3FAA]  }
0x2c: {  	s7 =	sld [smem:$0x3FAB]  }
0x2d: {  	s3 =	simm.s32 $0x108;
	s8 =	sld [smem:$0x3FAC]  }
0x2e: {  	s3 =	simm.s32 @!p0 $0x1082;
	s9 =	sld [smem:$0x3FAD]  }
0x2f: {  	lr =	sadd.s32 s0, s3;
	s0 =	sld [smem:$0x3FA4]  }
0x30: {  	s3 =	sld [smem:$0x3FA7]  }
0x31: {  	[smem:$0x3FB0] =	sst s10  }
0x32: {  	s10 =	sld [smem:$0x3FAE];
	_ =	sdelay $0x3  }
0x33: {  	p0 =	seq.s32 s10, $0x1;
	s10 =	sld [smem:$0x3FB0];
	_ =	sdelay $0x3  }
0x34: {  	[smem:$0x3FB0] =	sst s10  }
0x35: {  	s10 =	sld [smem:$0x3FAF];
	_ =	sdelay $0x3  }
0x36: {  	p1 =	seq.s32 s10, $0x1;
	s10 =	sld [smem:$0x3FB0];
	_ =	sdelay $0x3  }
0x37: {  	[smem:$0x3FB0] =	sst s10  }
0x38: {  	s10 =	sld [smem:$0x3FB1]  }
0x39: {  	_ = 	snop;
	(pc) =	sbr.ind lr, $3  }
0x3a: {  	_ = 	snop  }
0x3b: {  	_ = 	snop  }
0x3c: {  	p2 =	seq.s32 s10, $0x1;
	s10 =	sld [smem:$0x3FB0]  }
0x3d: {  	_ =	shalt  }
0x3e: {  	_ =	shalt  }
0x3f: {  	_ =	shalt  }
0x40: {  	_ =	shalt  }
0x41: {  	_ =	shalt  }
0x42: {  	_ =	shalt  }
0x43: {  	_ =	shalt  }
0x44: {  	_ =	shalt  }
0x45: {  	_ =	shalt  }
0x46: {  	_ =	shalt  }
0x47: {  	_ =	shalt  }
0x48: {  	_ =	shalt  }
0x49: {  	_ =	shalt  }
0x4a: {  	_ =	shalt  }
0x4b: {  	_ =	shalt  }
0x4c: {  	_ =	shalt  }
0x4d: {  	_ =	shalt  }
0x4e: {  	_ =	shalt  }
0x4f: {  	_ =	shalt  }
0x50: {  	_ =	shalt  }
0x51: {  	_ =	shalt  }
0x52: {  	_ =	shalt  }
0x53: {  	_ =	shalt  }
0x54: {  	_ =	shalt  }
0x55: {  	_ =	shalt  }
0x56: {  	_ =	shalt  }
0x57: {  	_ =	shalt  }
0x58: {  	_ =	shalt  }
0x59: {  	_ =	shalt  }
0x5a: {  	_ =	shalt  }
0x5b: {  	_ =	shalt  }
0x5c: {  	_ =	shalt  }
0x5d: {  	_ =	shalt  }
0x5e: {  	_ =	shalt  }
0x5f: {  	_ =	shalt  }
0x60: {  	_ =	shalt  }
0x61: {  	_ =	shalt  }
0x62: {  	_ =	shalt  }
0x63: {  	_ =	shalt  }
0x64: {  	_ =	shalt  }
0x65: {  	_ =	shalt  }
0x66: {  	_ =	shalt  }
0x67: {  	_ =	shalt  }
0x68: {  	_ =	shalt  }
0x69: {  	_ =	shalt  }
0x6a: {  	_ =	shalt  }
0x6b: {  	_ =	shalt  }
0x6c: {  	_ =	shalt  }
0x6d: {  	_ =	shalt  }
0x6e: {  	_ =	shalt  }
0x6f: {  	_ =	shalt  }
0x70: {  	_ =	shalt  }
0x71: {  	_ =	shalt  }
0x72: {  	_ =	shalt  }
0x73: {  	_ =	shalt  }
0x74: {  	_ =	shalt  }
0x75: {  	_ =	shalt  }
0x76: {  	_ =	shalt  }
0x77: {  	_ =	shalt  }
0x78: {  	_ =	shalt  }
0x79: {  	_ =	shalt  }
0x7a: {  	_ =	shalt  }
0x7b: {  	_ =	shalt  }
0x7c: {  	_ =	shalt  }
0x7d: {  	_ =	shalt  }
0x7e: {  	_ =	shalt  }
0x7f: {  	_ =	shalt  }
0x80: {  	_ =	shalt  }
0x81: {  	_ =	shalt  }
0x82: {  	_ =	shalt  }
0x83: {  	_ =	shalt  }
0x84: {  	_ =	shalt  }
0x85: {  	_ =	shalt  }
0x86: {  	_ =	shalt  }
0x87: {  	_ =	shalt  }
.Lfunc_end0:
.L_simem_size_0:
called_computation.1_lowered:
.L_overlay_start_0:
0x88: {  	s2 =	sld [smem:$0x3FD9]  }
0x89: {  	s3 =	sld [smem:$0x3FFE];
	_ =	sdelay $0x1  }
0x8a: {  	s1 =	srdreg.scid  }
0x8b: {  	s0 =	sand.u32 $0x1, s1  }
0x8c: {  	s17 =	sshll.u32 s0, $0xA;
	s2 =	sadd.s32 s3, s2  }
0x8d: {  	s2 =	sadd.s32 s2, s17  }
0x8e: {  	[smem:$0x3FBC] =	sst s2  }
0x8f: {  	_ = 	snop  }
0x90: {  	s18 =	sld [smem:$0x3FC9];
	(tm) =	ssettm $0x1  }
0x91: {  	s19 =	sld [smem:$0x3FFB];
	_ =	sdelay $0x3  }
0x92: {  	_ =	strace s19  }
0x93: {  	s2 =	sld [smem:$0x3FFC];
	_ =	sdelay $0x3  }
0x94: {  	_ =	strace s2  }
0x95: {  	s2 =	sld [smem:$0x3FFD];
	_ =	sdelay $0x3  }
0x96: {  	_ =	strace s2  }
0x97: {  	_ =	strace $0x8FFFFFFF  }
0x98: {  	s20 =	sld [smem:$0x3FDB];
	_ =	sdelay $0x1  }
0x99: {  	s4 =	simm.s32 $_scs_section_size  }
0x9a: {  	s5 =	simm.s32 $_size__tile_overlayer_lowered;
	s6 =	simm.s32 $_tile_overlayer_lowered  }
0x9b: {  	s7 =	simm.s32 $0x1BFF;
	s21 =	sshll.u32 s6, $0x1;
	s4 =	sadd.s32 s4, s20  }
0x9c: {  	s22 =	simm.s32 $0x0;
	s5 =	sshll.u32 s5, $0x1;
	s6 =	sadd.s32 s21, s4  }
0x9d: {  	[timem:s22], [sflag:s7] =	dma.local [hbm:s6], s5  }
0x9e: {  	_ =	swait.ge [sflag:s7], s5  }
0x9f: {  	s5 =	ssub.s32 $0x0, s5;
	[sflag:s7] =	ssyncset.done $0x0  }
0xa0: {  	[sflag:s7] =	ssyncadd.s32 s5;
	_ =	sdelay $0x1  }
0xa1: {  	s23 =	simm.s32 $0x1B8B  }
0xa2: {  	_ =	swait.ge [sflag:s23], $0x1  }
0xa3: {  	[sflag:s23] =	ssyncset.done $0x0  }
0xa4: {  	[sflag:s23] =	ssyncadd.s32 $0xFFFFFFFF  }
0xa5: {  	s5 =	sld [smem:$0x0]  }
0xa6: {  	s6 =	sand.u32 $0xFFFFFFFE, s1  }
0xa7: {  	p0 =	sne.s32 s1, s6  }
0xa8: {  	s6 =	sshll.u32 @p0 s6, $0xE  }
0xa9: {  	s6 =	sadd.s32 @p0 $0x11B8D, s6;
	s7 =	sshll.u32 @p0 s5, $0x11  }
0xaa: {  	s6 =	sor.u32 @p0 s7, s6  }
0xab: {  	[sflag:s6] =	ssyncadd.remote.s32 @p0 $0x1;
	_ =	sdelay $0x1  }
0xac: {  	s6 =	simm.s32 @p0 $0x1B8D  }
0xad: {  	_ =	swait.eq @p0 [sflag:s6], $0x1  }
0xae: {  	[sflag:s6] =	ssyncadd.s32 @p0 $0xFFFFFFFF  }
0xaf: {  	s7 =	sshll.u32 @!p0 s1, $0xE  }
0xb0: {  	s7 =	sor.u32 @!p0 $0x4000, s7;
	s6 =	simm.s32 @!p0 $0x1B8D  }
0xb1: {  	s5 =	sshll.u32 @!p0 s5, $0x11;
	s7 =	sadd.s32 @!p0 $0x11B8D, s7;
	_ =	swait.eq @!p0 [sflag:s6], $0x1  }
0xb2: {  	s5 =	sor.u32 @!p0 s5, s7;
	[sflag:s6] =	ssyncadd.s32 @!p0 $0xFFFFFFFF  }
0xb3: {  	s25 =	simm.s32 $0x1B8E;
	s24 =	sld [smem:$0x3FFE];
	[sflag:s5] =	ssyncadd.remote.s32 @!p0 $0x1  }
0xb4: {  	s26 =	simm.s32 $execute0_lowered;
	[smem:$0x3FD2] =	sst s25  }
0xb5: {  	s6 =	sshll.u32 s26, $0x1;
	_ =	strace $0x80000049;
	[dreg:$0x1] =	wrdreg $0xFFFFFFFF  }
0xb6: {  	s28 =	simm.s32 $_size_execute0_lowered;
	s4 =	sadd.s32 s4, s6;
	[dreg:$0x0] =	wrdreg $0x0  }
0xb7: {  	s6 =	sshll.u32 s28, $0x1;
	[dreg:$0x2] =	wrdreg s4  }
0xb8: {  	[dreg:$0x3] =	wrdreg s6  }
0xb9: {  	[dreg:$0x4] =	wrdreg $0xC0  }
0xba: {  	_ =	task [dreg:s22], $0x5FFFF  }
0xbb: {  	[dreg:$0x1] =	wrdreg $0xFFFFFFFF  }
0xbc: {  	[dreg:$0x0] =	wrdreg $0x60  }
0xbd: {  	[dreg:$0x2] =	wrdreg s18  }
0xbe: {  	[dreg:$0x3] =	wrdreg s24  }
0xbf: {  	[dreg:$0x4] =	wrdreg $0xC6200  }
0xc0: {  	[dreg:$0x5] =	wrdreg $0xA  }
0xc1: {  	_ =	task.clear_ibuf [dreg:s22], $0x6FFFF;
	_ =	strace $0x90000049  }
0xc2: {  	s29 =	simm.s32 $0xA;
	_ =	strace $0x8000004B  }
0xc3: {  	_ =	swait.ge [sflag:s29], $0x1  }
0xc4: {  	[sflag:s29] =	ssyncadd.s32 $0xFFFFFFFF  }
0xc5: {  	_ =	strace $0x9000004B  }
0xc6: {  	_ =	sfence  }
0xc7: {  	s30 =	sld [smem:$0x0];
	_ =	sdelay $0x2  }
0xc8: {  	s31 =	sshll.u32 s1, $0xD;
	s1 =	sshrl.u32 s1, $0x2  }
0xc9: {  	s4 =	sand.u32 $0x4000, s31;
	s1 =	sadd.s32 s1, s30  }
0xca: {  	s0 =	sor.u32 s4, s0;
	s1 =	sshll.u32 s1, $0x11  }
0xcb: {  	s0 =	sor.u32 s1, s0  }
0xcc: {  	s0 =	sadd.s32 $0x8F2B, s0  }
0xcd: {  	[sflag:s0] =	ssyncadd.remote.s32 $0x1  }
0xce: {  	_ =	sfence.sel $0xFFFF  }
0xcf: {  	[dreg:$0x0] =	wrdreg $0xFFFFFFFF;
	(pc) =	sbr.abs _section_cstart, $3  }
0xd0: {  	[dreg:$0x1] =	wrdreg $0xFFFFFFFF  }
0xd1: {  	_ =	task.clear_ibuf [dreg:s22], $0x2FFFF;
	_ =	strace $0x9FFFFFFF  }
0xd2: {  	(tm) =	ssettm $0x7FFFFFFF  }
0xd3: {  	_ =	shalt  }
tec
execute0_lowered:
.L_overlay_start_1:
0x0: {  	(tag) =	ssettag $0x1  }
0x1: {  	s2 =	rddreg [dreg:$0x0]  }
0x2: {  	s6 =	rddreg [dreg:$0x1]  }
0x3: {  	s0 =	srdreg.scid;
	s3 =	rddreg [dreg:$0x2]  }
0x4: {  	s1 =	stileid.u32;
	s4 =	simm.s32 $0x0;
	s11 =	simm.s32 $0x2710  }
0x5: {  	s13 =	simm.s32 $0x1;
	s14 =	simm.s32 $0x50;
	s15 =	simm.s32 $0x2  }
0x6: {  	s17 =	simm.s32 $0x0;
	s5 =	sand.u32 $0x1, s0;
	s0 =	rddreg [dreg:$0x3]  }
0x7: {  	s8 =	smul.u32 $0x13880, s1;
	[smem:$0x7FF] =	sst s4;
	s16 =	sshll.u32 s1, $0x6  }
0x8: {  	s7 =	sshll.u32 s5, $0x4;
	s9 =	smul.u32 $0x138800, s5;
	_ =	strace $0x8000004A  }
0x9: {  	s10 =	ssub.s32 $0x2, s5;
	s5 =	sadd.s32 $0x21200, s6;
	s7 =	sor.u32 s1, s7  }
0xa: {  	s31 =	sshrl.u32 s10, $0x1;
	s12 =	sadd.s32 s8, s3;
	s7 =	smul.u32 $0x4E2, s7  }
0xb: {  	s9 =	sadd.s32 s8, s9;
	s10 =	ssub.s32 s10, s31;
	s8 =	sor.u32 $0x1C01, s16  }
0xc: {  	s12 =	sshrl.u32 s12, $0x3;
	s16 =	sor.u32 $0x1C02, s16;
	s9 =	sshrl.u32 s9, $0x3  }
0xd: {  	s10 =	smax.u32 s10, $0x1;
	s7 =	sadd.s32 s7, s6;
	s9 =	sadd.s32 s9, s6  }
0xe: {  	s6 =	sadd.s32 $0x3000, s7;
	s7 =	sadd.s32 $0xCE00, s7;
	s9 =	sadd.s32 $0x23A00, s9  }
.LBB2_1:
0xf: {  	[tilespmem:s4], [sflag:$0x1] =	stream.linear.gather [hbm4b:s6+s4], $0x2710, $0x38;
	[tilespmem:$0x1FEA0] =	vst v63  }
0x10: {  	_ = 	snop  }
0x11: {  	[tilespmem:s11], [sflag:$0x1] =	stream.linear.gather [hbm4b:s7+s4], $0x2710, $0x38;
	[tilespmem:$0x1FEA0] =	vst v63  }
0x12: {  	[spmem:s12], [sflag:s8] =	dma.local [hbm:s5], $0x2710  }
0x13: {  	_ =	swait.ge [sflag:s13], $0x2710  }
0x14: {  	[sflag:s13] =	ssyncset.done $0x0  }
0x15: {  	[sflag:s13] =	ssyncadd.s32 $0xFFFFD8F0  }
0x16: {  	_ =	swait.ge [sflag:s13], $0x2710  }
0x17: {  	[sflag:s13] =	ssyncset.done $0x0  }
0x18: {  	[sflag:s13] =	ssyncadd.s32 $0xFFFFD8F0  }
0x19: {  	_ =	swait.ge [sflag:s13], $0x2710  }
0x1a: {  	[sflag:s13] =	ssyncset.done $0x0  }
0x1b: {  	s18 =	simm.s32 $0x2670;
	[sflag:s13] =	ssyncadd.s32 $0xFFFFD8F0  }
0x1c: {  	s19 =	simm.s32 $0x0;
	s20 =	simm.s32 $0x0;
	[bflag:$0x0] =	sbarrier.arrive $0xFFFF  }
.LBB2_2:
0x1d: {  	p0 =	slt.u32 s20, $0x7D  }
0x1e: {  	s21 =	smul.u32 @p0 $0xAB, s20;
	_ =	sdelay $0x1  }
0x1f: {  	s21 =	sshrl.u32 @p0 s21, $0x9  }
0x20: {  	s21 =	sand.u32 @p0 $0x7F, s21  }
0x21: {  	s21 =	smul.u32 @p0 $0x3, s21;
	_ =	sdelay $0x1  }
0x22: {  	s21 =	ssub.s32 @p0 s20, s21  }
0x23: {  	s21 =	sand.u32 @p0 $0xFF, s21  }
0x24: {  	s21 =	smul.u32 @p0 $0xA000, s21;
	_ =	sdelay $0x1  }
0x25: {  	s21 =	sshrl.u32 @p0 s21, $0x2  }
0x26: {  	s22 =	simm.s32 @p0 $0x50;
	p1 =	slt.u32 @p0 s20, $0x2;
	s21 =	sadd.s32 @p0 $0x4E20, s21  }
0x27: {  	[tilespmem:s21], [sflag:$0x1] =	stream.indirect.gather @p0 [hbm4b:s2+s22], $0x80, s19, s22, $0xb8;
	[tilespmem:$0x1FEA0] =	vst v63  }
0x28: {  	p0 =	por !p0, !p1  }
0x29: {  	s21 =	sadd.s32 @p0 $0xFFFFFFFE, s20  }
0x2a: {  	s22 =	sand.u32 @p0 $0xFF, s21  }
0x2b: {  	s22 =	smul.u32 @p0 $0xAB, s22;
	_ =	sdelay $0x1  }
0x2c: {  	s22 =	sshrl.u32 @p0 s22, $0x9  }
0x2d: {  	s22 =	smul.u32 @p0 $0x3, s22;
	_ =	sdelay $0x1  }
0x2e: {  	s21 =	ssub.s32 @p0 s21, s22  }
0x2f: {  	s21 =	sand.u32 @p0 $0xFF, s21  }
0x30: {  	s21 =	smul.u32 @p0 $0xA000, s21  }
0x31: {  	_ =	swait.ge @p0 [sflag:s13], $0x2800  }
0x32: {  	[sflag:s13] =	ssyncset.done @p0 $0x0;
	s21 =	sshrl.u32 @p0 s21, $0x2  }
0x33: {  	[sflag:s13] =	ssyncadd.s32 @p0 $0xFFFFD800;
	s21 =	sadd.s32 @p0 $0x4E20, s21  }
0x34: {  	[spmem:s3] =	stream.indirect.scatter.add.f32 @p0 [tilespmem:s21], [sflag:$0x2], $0x80, s18, s14, $0xb8;
	[tilespmem:$0x1FEA0] =	vst v63  }
0x35: {  	_ =	swait.ge @p0 [sflag:s15], $0x2800  }
0x36: {  	s20 =	sadd.s32 $0x1, s20;
	[sflag:s15] =	ssyncset.done @p0 $0x0  }
0x37: {  	[sflag:s15] =	ssyncadd.s32 @p0 $0xFFFFD800;
	p0 =	sne.s32 s20, $0x7F  }
.Ltmp0:
0x38: {  	_ = 	snop;
	(pc) =	sbr.rel @p0 .LBB2_2-.Ltmp0, $2  }
0x39: {  	_ =	sdelay $0x2  }
0x3a: {  	s19 =	sadd.s32 $0x50, s19;
	s18 =	sadd.s32 $0x50, s18  }
0x3b: {  	s17 =	sadd.s32 $0x1, s17  }
0x3c: {  	p0 =	sne.s32 s17, s10  }
.Ltmp1:
0x3d: {  	[bflag:$0x0] =	sbarrier.arrive $0xFFFF;
	(pc) =	sbr.rel @p0 .LBB2_1-.Ltmp1, $4  }
0x3e: {  	[hbm:s9], [sflag:s16] =	dma.local [spmem:s12], $0x2710  }
0x3f: {  	_ =	swait.ge [sflag:s15], $0x2710  }
0x40: {  	[sflag:s15] =	ssyncset.done $0x0  }
0x41: {  	[sflag:s15] =	ssyncadd.s32 $0xFFFFD8F0  }
0x42: {  	_ =	sfence.sel $0x180000  }
0x43: {  	[bflag:$0x0] =	sbarrier.arrive $0xFFFF  }
0x44: {  	p0 =	sne.s32 s1, $0x0;
	_ =	strace $0x9000004A  }
0x45: {  	s0 =	sadd.s32 @!p0 $0x100000, s0;
	[bflag:$0x2] =	sbarrier.arrive $0xFFFF  }
0x46: {  	[sflag:s0] =	ssyncadd.tile.s32 @!p0 $0x1;
	_ =	shalt  }
.Lfunc_end2:
_tile_overlayer_lowered:
.L_overlay_start_2:
0x47: {  	(tag) =	ssettag $0x2  }
0x48: {  	s0 =	rddreg [dreg:$0x0];
	s2 =	stileid.u32  }
0x49: {  	s1 =	rddreg [dreg:$0x1];
	p0 =	sne.s32 s2, $0x0  }
0x4a: {  	s3 =	rddreg [dreg:$0x2];
	[bflag:$0x3] =	sbarrier.arrive $0xFFFF;
	s2 =	simm.s32 @!p0 $0x1C02  }
0x4b: {  	[timem:s3], [sflag:s2] =	dma.local @!p0 [hbm:s0], s1  }
0x4c: {  	s0 =	simm.s32 @!p0 $0x2  }
0x4d: {  	_ =	swait.ge @!p0 [sflag:s0], s1  }
0x4e: {  	s1 =	ssub.s32 @!p0 $0x0, s1;
	[sflag:s0] =	ssyncset.done @!p0 $0x0  }
0x4f: {  	[sflag:s0] =	ssyncadd.s32 @!p0 s1  }
0x50: {  	[bflag:$0x3] =	sbarrier.arrive $0xFFFF  }
0x51: {  	_ =	shalt  }

// kernel: kernel.13.cloned.1.call-start
scs
__scs_entry_jumppad:
0x0: {  	(pc) =	sbr.rel $0x88, $3  }
0x1: {  	(tag) =	ssettag $0x0;
	lr =	simm.s32 $0x1  }
0x2: {  	[smem:$0x3F95] =	sst lr;
	_ =	strace $0xD0000000  }
0x3: {  	_ = 	snop  }
0x4: {  	_ = 	snop  }
0x5: {  	_ = 	snop  }
0x6: {  	_ = 	snop  }
0x7: {  	_ = 	snop  }
__scs_overlays_trampoline_lowered:
0x8: {  	[smem:$0x3FA4] =	sst s0  }
0x9: {  	[smem:$0x3FA5] =	sst s1  }
0xa: {  	[smem:$0x3FA6] =	sst s2  }
0xb: {  	[smem:$0x3FA7] =	sst s3  }
0xc: {  	[smem:$0x3FA8] =	sst s4  }
0xd: {  	[smem:$0x3FA9] =	sst s5  }
0xe: {  	[smem:$0x3FAA] =	sst s6  }
0xf: {  	[smem:$0x3FAB] =	sst s7  }
0x10: {  	[smem:$0x3FAC] =	sst s8  }
0x11: {  	[smem:$0x3FAD] =	sst s9;
	s0 =	simm.s32 @!p0 $0x0  }
0x12: {  	s1 =	sld [smem:$0x3F93];
	s0 =	simm.s32 @p0 $0x1  }
0x13: {  	[smem:$0x3FAE] =	sst s0;
	s0 =	simm.s32 @!p1 $0x0  }
0x14: {  	s2 =	sld [smem:$0x3F92];
	s0 =	simm.s32 @p1 $0x1  }
0x15: {  	[smem:$0x3FAF] =	sst s0;
	s0 =	simm.s32 @!p2 $0x0  }
0x16: {  	s3 =	sld [smem:$0x3FDB];
	s0 =	simm.s32 @p2 $0x1  }
0x17: {  	s4 =	simm.s32 $0x1BF5;
	[smem:$0x3FB1] =	sst s0  }
0x18: {  	s0 =	sld [smem:$0x3F94];
	_ =	swait.ge [sflag:s4], $0x0  }
0x19: {  	s7 =	sld [smem:$0x3F95]  }
0x1a: {  	s8 =	sadd.s32 $0xFFFFE003, lr  }
0x1b: {  	s9 =	sadd.s32 $0xFFFFFEF7, lr;
	s5 =	simm.s32 $0xFFFFFFFF;
	p2 =	slt.u32 s8, $0xFFFFF086  }
0x1c: {  	p1 =	slt.u32 s9, $0xF7A;
	s5 =	simm.s32 @!p2 $0x0  }
0x1d: {  	s5 =	simm.s32 @p1 $0x1;
	p0 =	seq.s32 s7, s2  }
0x1e: {  	s7 =	smul.u32 @!p0 $0xF7A, s2;
	p2 =	seq.s32 @!p0 s5, $0x0  }
0x1f: {  	s9 =	smul.u32 $0xF7A, s1;
	s8 =	simm.s32 @!p0 $0x1BF5;
	p2 =	por !p2, p0  }
0x20: {  	[sflag:s8] =	ssyncset.s32 @!p0 $0xFFFFF086;
	s6 =	sadd.s32 @!p0 s3, s7;
	s7 =	simm.s32 @!p0 $0x108  }
0x21: {  	s3 =	sadd.s32 s3, s9;
	s6 =	sadd.s32 @!p0 $0x88, s6;
	s7 =	simm.s32 @p2 $0x1082  }
0x22: {  	[simem:s7], [sflag:s8] =	dma.local @!p0 [hbm:s6], $0xF7A  }
0x23: {  	s9 =	sor.u32 $0xD0000000, s2;
	s6 =	simm.s32 $0x108;
	_ =	swait.ge @!p0 [sflag:s8], $0x0  }
0x24: {  	s3 =	sadd.s32 $0x88, s3;
	s6 =	simm.s32 @!p1 $0x1082;
	[sflag:s4] =	ssyncset.s32 $0xFFFFF086  }
0x25: {  	[simem:s6], [sflag:s4] =	dma.local [hbm:s3], $0xF7A  }
0x26: {  	[smem:$0x3F95] =	sst s1;
	(tag) =	ssettag s2;
	_ =	strace s9  }
0x27: {  	s1 =	sld [smem:$0x3FA5]  }
0x28: {  	s2 =	sld [smem:$0x3FA6]  }
0x29: {  	s4 =	sld [smem:$0x3FA8]  }
0x2a: {  	p0 =	seq.s32 s5, $0x0;
	s5 =	sld [smem:$0x3FA9]  }
0x2b: {  	s6 =	sld [smem:$0x3FAA]  }
0x2c: {  	s7 =	sld [smem:$0x3FAB]  }
0x2d: {  	s3 =	simm.s32 $0x108;
	s8 =	sld [smem:$0x3FAC]  }
0x2e: {  	s3 =	simm.s32 @!p0 $0x1082;
	s9 =	sld [smem:$0x3FAD]  }
0x2f: {  	lr =	sadd.s32 s0, s3;
	s0 =	sld [smem:$0x3FA4]  }
0x30: {  	s3 =	sld [smem:$0x3FA7]  }
0x31: {  	[smem:$0x3FB0] =	sst s10  }
0x32: {  	s10 =	sld [smem:$0x3FAE];
	_ =	sdelay $0x3  }
0x33: {  	p0 =	seq.s32 s10, $0x1;
	s10 =	sld [smem:$0x3FB0];
	_ =	sdelay $0x3  }
0x34: {  	[smem:$0x3FB0] =	sst s10  }
0x35: {  	s10 =	sld [smem:$0x3FAF];
	_ =	sdelay $0x3  }
0x36: {  	p1 =	seq.s32 s10, $0x1;
	s10 =	sld [smem:$0x3FB0];
	_ =	sdelay $0x3  }
0x37: {  	[smem:$0x3FB0] =	sst s10  }
0x38: {  	s10 =	sld [smem:$0x3FB1]  }
0x39: {  	_ = 	snop;
	(pc) =	sbr.ind lr, $3  }
0x3a: {  	_ = 	snop  }
0x3b: {  	_ = 	snop  }
0x3c: {  	p2 =	seq.s32 s10, $0x1;
	s10 =	sld [smem:$0x3FB0]  }
0x3d: {  	_ =	shalt  }
0x3e: {  	_ =	shalt  }
0x3f: {  	_ =	shalt  }
0x40: {  	_ =	shalt  }
0x41: {  	_ =	shalt  }
0x42: {  	_ =	shalt  }
0x43: {  	_ =	shalt  }
0x44: {  	_ =	shalt  }
0x45: {  	_ =	shalt  }
0x46: {  	_ =	shalt  }
0x47: {  	_ =	shalt  }
0x48: {  	_ =	shalt  }
0x49: {  	_ =	shalt  }
0x4a: {  	_ =	shalt  }
0x4b: {  	_ =	shalt  }
0x4c: {  	_ =	shalt  }
0x4d: {  	_ =	shalt  }
0x4e: {  	_ =	shalt  }
0x4f: {  	_ =	shalt  }
0x50: {  	_ =	shalt  }
0x51: {  	_ =	shalt  }
0x52: {  	_ =	shalt  }
0x53: {  	_ =	shalt  }
0x54: {  	_ =	shalt  }
0x55: {  	_ =	shalt  }
0x56: {  	_ =	shalt  }
0x57: {  	_ =	shalt  }
0x58: {  	_ =	shalt  }
0x59: {  	_ =	shalt  }
0x5a: {  	_ =	shalt  }
0x5b: {  	_ =	shalt  }
0x5c: {  	_ =	shalt  }
0x5d: {  	_ =	shalt  }
0x5e: {  	_ =	shalt  }
0x5f: {  	_ =	shalt  }
0x60: {  	_ =	shalt  }
0x61: {  	_ =	shalt  }
0x62: {  	_ =	shalt  }
0x63: {  	_ =	shalt  }
0x64: {  	_ =	shalt  }
0x65: {  	_ =	shalt  }
0x66: {  	_ =	shalt  }
0x67: {  	_ =	shalt  }
0x68: {  	_ =	shalt  }
0x69: {  	_ =	shalt  }
0x6a: {  	_ =	shalt  }
0x6b: {  	_ =	shalt  }
0x6c: {  	_ =	shalt  }
0x6d: {  	_ =	shalt  }
0x6e: {  	_ =	shalt  }
0x6f: {  	_ =	shalt  }
0x70: {  	_ =	shalt  }
0x71: {  	_ =	shalt  }
0x72: {  	_ =	shalt  }
0x73: {  	_ =	shalt  }
0x74: {  	_ =	shalt  }
0x75: {  	_ =	shalt  }
0x76: {  	_ =	shalt  }
0x77: {  	_ =	shalt  }
0x78: {  	_ =	shalt  }
0x79: {  	_ =	shalt  }
0x7a: {  	_ =	shalt  }
0x7b: {  	_ =	shalt  }
0x7c: {  	_ =	shalt  }
0x7d: {  	_ =	shalt  }
0x7e: {  	_ =	shalt  }
0x7f: {  	_ =	shalt  }
0x80: {  	_ =	shalt  }
0x81: {  	_ =	shalt  }
0x82: {  	_ =	shalt  }
0x83: {  	_ =	shalt  }
0x84: {  	_ =	shalt  }
0x85: {  	_ =	shalt  }
0x86: {  	_ =	shalt  }
0x87: {  	_ =	shalt  }
.Lfunc_end0:
.L_simem_size_0:
called_computation.2_lowered:
.L_overlay_start_0:
0x88: {  	s2 =	sld [smem:$0x3FD9]  }
0x89: {  	s3 =	sld [smem:$0x3FFE];
	_ =	sdelay $0x1  }
0x8a: {  	s1 =	srdreg.scid  }
0x8b: {  	s0 =	sand.u32 $0x1, s1  }
0x8c: {  	s17 =	sshll.u32 s0, $0xA;
	s2 =	sadd.s32 s3, s2  }
0x8d: {  	s2 =	sadd.s32 s2, s17  }
0x8e: {  	[smem:$0x3FBC] =	sst s2  }
0x8f: {  	_ = 	snop  }
0x90: {  	s2 =	sld [smem:$0x3FD0];
	(tm) =	ssettm $0x1  }
0x91: {  	s18 =	sld [smem:$0x3FFB];
	_ =	sdelay $0x3  }
0x92: {  	_ =	strace s18  }
0x93: {  	s3 =	sld [smem:$0x3FFC];
	_ =	sdelay $0x3  }
0x94: {  	_ =	strace s3  }
0x95: {  	s3 =	sld [smem:$0x3FFD];
	_ =	sdelay $0x3  }
0x96: {  	_ =	strace s3  }
0x97: {  	_ =	strace $0x8FFFFFFF  }
0x98: {  	s19 =	sld [smem:$0x3FDB];
	_ =	sdelay $0x1  }
0x99: {  	s4 =	simm.s32 $_scs_section_size  }
0x9a: {  	s5 =	simm.s32 $_size__tile_overlayer_lowered;
	s6 =	simm.s32 $_tile_overlayer_lowered  }
0x9b: {  	s22 =	simm.s32 $0x1BFF;
	s21 =	sshll.u32 s6, $0x1;
	s3 =	sadd.s32 s4, s19  }
0x9c: {  	s7 =	simm.s32 $0x0;
	s20 =	sshll.u32 s5, $0x1;
	s5 =	sadd.s32 s21, s3  }
0x9d: {  	[timem:s7], [sflag:s22] =	dma.local [hbm:s5], s20  }
0x9e: {  	_ =	swait.ge [sflag:s22], s20  }
0x9f: {  	s4 =	ssub.s32 $0x0, s20;
	[sflag:s22] =	ssyncset.done $0x0  }
0xa0: {  	[sflag:s22] =	ssyncadd.s32 s4;
	_ =	sdelay $0x1  }
0xa1: {  	s23 =	simm.s32 $0x1B8B  }
0xa2: {  	_ =	swait.ge [sflag:s23], $0x1  }
0xa3: {  	[sflag:s23] =	ssyncset.done $0x0  }
0xa4: {  	s25 =	simm.s32 $0x1B8E;
	s24 =	sld [smem:$0x3FFE];
	[sflag:s23] =	ssyncadd.s32 $0xFFFFFFFF  }
0xa5: {  	s26 =	simm.s32 $execute0_lowered;
	[smem:$0x3FD2] =	sst s25  }
0xa6: {  	s5 =	sshll.u32 s26, $0x1;
	_ =	strace $0x8000004C;
	[dreg:$0x1] =	wrdreg $0xFFFFFFFF  }
0xa7: {  	s28 =	simm.s32 $_size_execute0_lowered;
	s3 =	sadd.s32 s3, s5;
	[dreg:$0x0] =	wrdreg $0x0  }
0xa8: {  	s5 =	sshll.u32 s28, $0x1;
	[dreg:$0x2] =	wrdreg s3  }
0xa9: {  	[dreg:$0x3] =	wrdreg s5  }
0xaa: {  	[dreg:$0x4] =	wrdreg $0xC0  }
0xab: {  	_ =	task [dreg:s7], $0x5FFFF  }
0xac: {  	[dreg:$0x1] =	wrdreg $0xFFFFFFFF  }
0xad: {  	[dreg:$0x0] =	wrdreg $0x60  }
0xae: {  	[dreg:$0x2] =	wrdreg s2  }
0xaf: {  	[dreg:$0x3] =	wrdreg s24  }
0xb0: {  	[dreg:$0x4] =	wrdreg $0xC6200  }
0xb1: {  	[dreg:$0x5] =	wrdreg $0x9  }
0xb2: {  	_ =	task.clear_ibuf [dreg:s7], $0x6FFFF;
	_ =	strace $0x9000004C  }
0xb3: {  	s29 =	simm.s32 $0x9;
	_ =	strace $0x8000004E  }
0xb4: {  	_ =	swait.ge [sflag:s29], $0x1  }
0xb5: {  	[sflag:s29] =	ssyncadd.s32 $0xFFFFFFFF  }
0xb6: {  	_ =	strace $0x9000004E  }
0xb7: {  	_ =	sfence  }
0xb8: {  	s30 =	sld [smem:$0x0];
	_ =	sdelay $0x2  }
0xb9: {  	s31 =	sshll.u32 s1, $0xD;
	s1 =	sshrl.u32 s1, $0x2  }
0xba: {  	s3 =	sand.u32 $0x4000, s31;
	s1 =	sadd.s32 s1, s30  }
0xbb: {  	s0 =	sor.u32 s3, s0;
	s1 =	sshll.u32 s1, $0x11  }
0xbc: {  	s0 =	sor.u32 s1, s0  }
0xbd: {  	s0 =	sadd.s32 $0x8F2B, s0  }
0xbe: {  	[sflag:s0] =	ssyncadd.remote.s32 $0x1  }
0xbf: {  	_ =	sfence.sel $0xFFFF  }
0xc0: {  	[dreg:$0x0] =	wrdreg $0xFFFFFFFF;
	(pc) =	sbr.abs _section_cstart, $3  }
0xc1: {  	[dreg:$0x1] =	wrdreg $0xFFFFFFFF  }
0xc2: {  	_ =	task.clear_ibuf [dreg:s7], $0x2FFFF;
	_ =	strace $0x9FFFFFFF  }
0xc3: {  	(tm) =	ssettm $0x7FFFFFFF  }
tec
execute0_lowered:
.L_overlay_start_1:
0x0: {  	(tag) =	ssettag $0x1  }
0x1: {  	s2 =	rddreg [dreg:$0x0]  }
0x2: {  	s6 =	rddreg [dreg:$0x1]  }
0x3: {  	s0 =	srdreg.scid;
	s3 =	rddreg [dreg:$0x2]  }
0x4: {  	s1 =	stileid.u32;
	s4 =	simm.s32 $0x0;
	s11 =	simm.s32 $0x2710  }
0x5: {  	s13 =	simm.s32 $0x1;
	s14 =	simm.s32 $0x50;
	s15 =	simm.s32 $0x2  }
0x6: {  	s17 =	simm.s32 $0x0;
	s5 =	sand.u32 $0x1, s0;
	s0 =	rddreg [dreg:$0x3]  }
0x7: {  	s8 =	smul.u32 $0x13880, s1;
	[smem:$0x7FF] =	sst s4;
	s16 =	sshll.u32 s1, $0x6  }
0x8: {  	s7 =	sshll.u32 s5, $0x4;
	s9 =	smul.u32 $0x138800, s5;
	_ =	strace $0x8000004D  }
0x9: {  	s10 =	ssub.s32 $0x2, s5;
	s5 =	sadd.s32 $0x21200, s6;
	s7 =	sor.u32 s1, s7  }
0xa: {  	s31 =	sshrl.u32 s10, $0x1;
	s12 =	sadd.s32 s8, s3;
	s7 =	smul.u32 $0x4E2, s7  }
0xb: {  	s9 =	sadd.s32 s8, s9;
	s10 =	ssub.s32 s10, s31;
	s8 =	sor.u32 $0x1C01, s16  }
0xc: {  	s12 =	sshrl.u32 s12, $0x3;
	s16 =	sor.u32 $0x1C02, s16;
	s9 =	sshrl.u32 s9, $0x3  }
0xd: {  	s10 =	smax.u32 s10, $0x1;
	s7 =	sadd.s32 s7, s6;
	s9 =	sadd.s32 s9, s6  }
0xe: {  	s6 =	sadd.s32 $0x3000, s7;
	s7 =	sadd.s32 $0xCE00, s7;
	s9 =	sadd.s32 $0x23A00, s9  }
.LBB2_1:
0xf: {  	[tilespmem:s4], [sflag:$0x1] =	stream.linear.gather [hbm4b:s6+s4], $0x2710, $0x38;
	[tilespmem:$0x1FEA0] =	vst v63  }
0x10: {  	_ = 	snop  }
0x11: {  	[tilespmem:s11], [sflag:$0x1] =	stream.linear.gather [hbm4b:s7+s4], $0x2710, $0x38;
	[tilespmem:$0x1FEA0] =	vst v63  }
0x12: {  	[spmem:s12], [sflag:s8] =	dma.local [hbm:s5], $0x2710  }
0x13: {  	_ =	swait.ge [sflag:s13], $0x2710  }
0x14: {  	[sflag:s13] =	ssyncset.done $0x0  }
0x15: {  	[sflag:s13] =	ssyncadd.s32 $0xFFFFD8F0  }
0x16: {  	_ =	swait.ge [sflag:s13], $0x2710  }
0x17: {  	[sflag:s13] =	ssyncset.done $0x0  }
0x18: {  	[sflag:s13] =	ssyncadd.s32 $0xFFFFD8F0  }
0x19: {  	_ =	swait.ge [sflag:s13], $0x2710  }
0x1a: {  	[sflag:s13] =	ssyncset.done $0x0  }
0x1b: {  	s18 =	simm.s32 $0x2670;
	[sflag:s13] =	ssyncadd.s32 $0xFFFFD8F0  }
0x1c: {  	s19 =	simm.s32 $0x0;
	s20 =	simm.s32 $0x0;
	[bflag:$0x0] =	sbarrier.arrive $0xFFFF  }
.LBB2_2:
0x1d: {  	p0 =	slt.u32 s20, $0x7D  }
0x1e: {  	s21 =	smul.u32 @p0 $0xAB, s20;
	_ =	sdelay $0x1  }
0x1f: {  	s21 =	sshrl.u32 @p0 s21, $0x9  }
0x20: {  	s21 =	sand.u32 @p0 $0x7F, s21  }
0x21: {  	s21 =	smul.u32 @p0 $0x3, s21;
	_ =	sdelay $0x1  }
0x22: {  	s21 =	ssub.s32 @p0 s20, s21  }
0x23: {  	s21 =	sand.u32 @p0 $0xFF, s21  }
0x24: {  	s21 =	smul.u32 @p0 $0xA000, s21;
	_ =	sdelay $0x1  }
0x25: {  	s21 =	sshrl.u32 @p0 s21, $0x2  }
0x26: {  	s22 =	simm.s32 @p0 $0x50;
	p1 =	slt.u32 @p0 s20, $0x2;
	s21 =	sadd.s32 @p0 $0x4E20, s21  }
0x27: {  	[tilespmem:s21], [sflag:$0x1] =	stream.indirect.gather @p0 [hbm4b:s2+s22], $0x80, s19, s22, $0xb8;
	[tilespmem:$0x1FEA0] =	vst v63  }
0x28: {  	p0 =	por !p0, !p1  }
0x29: {  	s21 =	sadd.s32 @p0 $0xFFFFFFFE, s20  }
0x2a: {  	s22 =	sand.u32 @p0 $0xFF, s21  }
0x2b: {  	s22 =	smul.u32 @p0 $0xAB, s22;
	_ =	sdelay $0x1  }
0x2c: {  	s22 =	sshrl.u32 @p0 s22, $0x9  }
0x2d: {  	s22 =	smul.u32 @p0 $0x3, s22;
	_ =	sdelay $0x1  }
0x2e: {  	s21 =	ssub.s32 @p0 s21, s22  }
0x2f: {  	s21 =	sand.u32 @p0 $0xFF, s21  }
0x30: {  	s21 =	smul.u32 @p0 $0xA000, s21  }
0x31: {  	_ =	swait.ge @p0 [sflag:s13], $0x2800  }
0x32: {  	[sflag:s13] =	ssyncset.done @p0 $0x0;
	s21 =	sshrl.u32 @p0 s21, $0x2  }
0x33: {  	[sflag:s13] =	ssyncadd.s32 @p0 $0xFFFFD800;
	s21 =	sadd.s32 @p0 $0x4E20, s21  }
0x34: {  	[spmem:s3] =	stream.indirect.scatter.add.f32 @p0 [tilespmem:s21], [sflag:$0x2], $0x80, s18, s14, $0xb8;
	[tilespmem:$0x1FEA0] =	vst v63  }
0x35: {  	_ =	swait.ge @p0 [sflag:s15], $0x2800  }
0x36: {  	s20 =	sadd.s32 $0x1, s20;
	[sflag:s15] =	ssyncset.done @p0 $0x0  }
0x37: {  	[sflag:s15] =	ssyncadd.s32 @p0 $0xFFFFD800;
	p0 =	sne.s32 s20, $0x7F  }
.Ltmp0:
0x38: {  	_ = 	snop;
	(pc) =	sbr.rel @p0 .LBB2_2-.Ltmp0, $2  }
0x39: {  	_ =	sdelay $0x2  }
0x3a: {  	s19 =	sadd.s32 $0x50, s19;
	s18 =	sadd.s32 $0x50, s18  }
0x3b: {  	s17 =	sadd.s32 $0x1, s17  }
0x3c: {  	p0 =	sne.s32 s17, s10  }
.Ltmp1:
0x3d: {  	[bflag:$0x0] =	sbarrier.arrive $0xFFFF;
	(pc) =	sbr.rel @p0 .LBB2_1-.Ltmp1, $4  }
0x3e: {  	[hbm:s9], [sflag:s16] =	dma.local [spmem:s12], $0x2710  }
0x3f: {  	_ =	swait.ge [sflag:s15], $0x2710  }
0x40: {  	[sflag:s15] =	ssyncset.done $0x0  }
0x41: {  	[sflag:s15] =	ssyncadd.s32 $0xFFFFD8F0  }
0x42: {  	_ =	sfence.sel $0x180000  }
0x43: {  	[bflag:$0x0] =	sbarrier.arrive $0xFFFF  }
0x44: {  	p0 =	sne.s32 s1, $0x0;
	_ =	strace $0x9000004D  }
0x45: {  	s0 =	sadd.s32 @!p0 $0x100000, s0;
	[bflag:$0x2] =	sbarrier.arrive $0xFFFF  }
0x46: {  	[sflag:s0] =	ssyncadd.tile.s32 @!p0 $0x1;
	_ =	shalt  }
.Lfunc_end2:
_tile_overlayer_lowered:
.L_overlay_start_2:
0x47: {  	(tag) =	ssettag $0x2  }
0x48: {  	s0 =	rddreg [dreg:$0x0];
	s2 =	stileid.u32  }
0x49: {  	s1 =	rddreg [dreg:$0x1];
	p0 =	sne.s32 s2, $0x0  }
0x4a: {  	s3 =	rddreg [dreg:$0x2];
	[bflag:$0x3] =	sbarrier.arrive $0xFFFF;
	s2 =	simm.s32 @!p0 $0x1C02  }
0x4b: {  	[timem:s3], [sflag:s2] =	dma.local @!p0 [hbm:s0], s1  }
0x4c: {  	s0 =	simm.s32 @!p0 $0x2  }
0x4d: {  	_ =	swait.ge @!p0 [sflag:s0], s1  }
0x4e: {  	s1 =	ssub.s32 @!p0 $0x0, s1;
	[sflag:s0] =	ssyncset.done @!p0 $0x0  }
0x4f: {  	[sflag:s0] =	ssyncadd.s32 @!p0 s1  }
0x50: {  	[bflag:$0x3] =	sbarrier.arrive $0xFFFF  }
0x51: {  	_ =	shalt  }

// kernel: kernel.7.cloned.1.call-start
scs
__scs_entry_jumppad:
0x0: {  	(pc) =	sbr.rel $0x88, $3  }
0x1: {  	(tag) =	ssettag $0x0;
	lr =	simm.s32 $0x1  }
0x2: {  	[smem:$0x3F95] =	sst lr;
	_ =	strace $0xD0000000  }
0x3: {  	_ = 	snop  }
0x4: {  	_ = 	snop  }
0x5: {  	_ = 	snop  }
0x6: {  	_ = 	snop  }
0x7: {  	_ = 	snop  }
__scs_overlays_trampoline_lowered:
0x8: {  	[smem:$0x3FA4] =	sst s0  }
0x9: {  	[smem:$0x3FA5] =	sst s1  }
0xa: {  	[smem:$0x3FA6] =	sst s2  }
0xb: {  	[smem:$0x3FA7] =	sst s3  }
0xc: {  	[smem:$0x3FA8] =	sst s4  }
0xd: {  	[smem:$0x3FA9] =	sst s5  }
0xe: {  	[smem:$0x3FAA] =	sst s6  }
0xf: {  	[smem:$0x3FAB] =	sst s7  }
0x10: {  	[smem:$0x3FAC] =	sst s8  }
0x11: {  	[smem:$0x3FAD] =	sst s9;
	s0 =	simm.s32 @!p0 $0x0  }
0x12: {  	s1 =	sld [smem:$0x3F93];
	s0 =	simm.s32 @p0 $0x1  }
0x13: {  	[smem:$0x3FAE] =	sst s0;
	s0 =	simm.s32 @!p1 $0x0  }
0x14: {  	s2 =	sld [smem:$0x3F92];
	s0 =	simm.s32 @p1 $0x1  }
0x15: {  	[smem:$0x3FAF] =	sst s0;
	s0 =	simm.s32 @!p2 $0x0  }
0x16: {  	s3 =	sld [smem:$0x3FDB];
	s0 =	simm.s32 @p2 $0x1  }
0x17: {  	s4 =	simm.s32 $0x1BF5;
	[smem:$0x3FB1] =	sst s0  }
0x18: {  	s0 =	sld [smem:$0x3F94];
	_ =	swait.ge [sflag:s4], $0x0  }
0x19: {  	s7 =	sld [smem:$0x3F95]  }
0x1a: {  	s8 =	sadd.s32 $0xFFFFE003, lr  }
0x1b: {  	s9 =	sadd.s32 $0xFFFFFEF7, lr;
	s5 =	simm.s32 $0xFFFFFFFF;
	p2 =	slt.u32 s8, $0xFFFFF086  }
0x1c: {  	p1 =	slt.u32 s9, $0xF7A;
	s5 =	simm.s32 @!p2 $0x0  }
0x1d: {  	s5 =	simm.s32 @p1 $0x1;
	p0 =	seq.s32 s7, s2  }
0x1e: {  	s7 =	smul.u32 @!p0 $0xF7A, s2;
	p2 =	seq.s32 @!p0 s5, $0x0  }
0x1f: {  	s9 =	smul.u32 $0xF7A, s1;
	s8 =	simm.s32 @!p0 $0x1BF5;
	p2 =	por !p2, p0  }
0x20: {  	[sflag:s8] =	ssyncset.s32 @!p0 $0xFFFFF086;
	s6 =	sadd.s32 @!p0 s3, s7;
	s7 =	simm.s32 @!p0 $0x108  }
0x21: {  	s3 =	sadd.s32 s3, s9;
	s6 =	sadd.s32 @!p0 $0x88, s6;
	s7 =	simm.s32 @p2 $0x1082  }
0x22: {  	[simem:s7], [sflag:s8] =	dma.local @!p0 [hbm:s6], $0xF7A  }
0x23: {  	s9 =	sor.u32 $0xD0000000, s2;
	s6 =	simm.s32 $0x108;
	_ =	swait.ge @!p0 [sflag:s8], $0x0  }
0x24: {  	s3 =	sadd.s32 $0x88, s3;
	s6 =	simm.s32 @!p1 $0x1082;
	[sflag:s4] =	ssyncset.s32 $0xFFFFF086  }
0x25: {  	[simem:s6], [sflag:s4] =	dma.local [hbm:s3], $0xF7A  }
0x26: {  	[smem:$0x3F95] =	sst s1;
	(tag) =	ssettag s2;
	_ =	strace s9  }
0x27: {  	s1 =	sld [smem:$0x3FA5]  }
0x28: {  	s2 =	sld [smem:$0x3FA6]  }
0x29: {  	s4 =	sld [smem:$0x3FA8]  }
0x2a: {  	p0 =	seq.s32 s5, $0x0;
	s5 =	sld [smem:$0x3FA9]  }
0x2b: {  	s6 =	sld [smem:$0x3FAA]  }
0x2c: {  	s7 =	sld [smem:$0x3FAB]  }
0x2d: {  	s3 =	simm.s32 $0x108;
	s8 =	sld [smem:$0x3FAC]  }
0x2e: {  	s3 =	simm.s32 @!p0 $0x1082;
	s9 =	sld [smem:$0x3FAD]  }
0x2f: {  	lr =	sadd.s32 s0, s3;
	s0 =	sld [smem:$0x3FA4]  }
0x30: {  	s3 =	sld [smem:$0x3FA7]  }
0x31: {  	[smem:$0x3FB0] =	sst s10  }
0x32: {  	s10 =	sld [smem:$0x3FAE];
	_ =	sdelay $0x3  }
0x33: {  	p0 =	seq.s32 s10, $0x1;
	s10 =	sld [smem:$0x3FB0];
	_ =	sdelay $0x3  }
0x34: {  	[smem:$0x3FB0] =	sst s10  }
0x35: {  	s10 =	sld [smem:$0x3FAF];
	_ =	sdelay $0x3  }
0x36: {  	p1 =	seq.s32 s10, $0x1;
	s10 =	sld [smem:$0x3FB0];
	_ =	sdelay $0x3  }
0x37: {  	[smem:$0x3FB0] =	sst s10  }
0x38: {  	s10 =	sld [smem:$0x3FB1]  }
0x39: {  	_ = 	snop;
	(pc) =	sbr.ind lr, $3  }
0x3a: {  	_ = 	snop  }
0x3b: {  	_ = 	snop  }
0x3c: {  	p2 =	seq.s32 s10, $0x1;
	s10 =	sld [smem:$0x3FB0]  }
0x3d: {  	_ =	shalt  }
0x3e: {  	_ =	shalt  }
0x3f: {  	_ =	shalt  }
0x40: {  	_ =	shalt  }
0x41: {  	_ =	shalt  }
0x42: {  	_ =	shalt  }
0x43: {  	_ =	shalt  }
0x44: {  	_ =	shalt  }
0x45: {  	_ =	shalt  }
0x46: {  	_ =	shalt  }
0x47: {  	_ =	shalt  }
0x48: {  	_ =	shalt  }
0x49: {  	_ =	shalt  }
0x4a: {  	_ =	shalt  }
0x4b: {  	_ =	shalt  }
0x4c: {  	_ =	shalt  }
0x4d: {  	_ =	shalt  }
0x4e: {  	_ =	shalt  }
0x4f: {  	_ =	shalt  }
0x50: {  	_ =	shalt  }
0x51: {  	_ =	shalt  }
0x52: {  	_ =	shalt  }
0x53: {  	_ =	shalt  }
0x54: {  	_ =	shalt  }
0x55: {  	_ =	shalt  }
0x56: {  	_ =	shalt  }
0x57: {  	_ =	shalt  }
0x58: {  	_ =	shalt  }
0x59: {  	_ =	shalt  }
0x5a: {  	_ =	shalt  }
0x5b: {  	_ =	shalt  }
0x5c: {  	_ =	shalt  }
0x5d: {  	_ =	shalt  }
0x5e: {  	_ =	shalt  }
0x5f: {  	_ =	shalt  }
0x60: {  	_ =	shalt  }
0x61: {  	_ =	shalt  }
0x62: {  	_ =	shalt  }
0x63: {  	_ =	shalt  }
0x64: {  	_ =	shalt  }
0x65: {  	_ =	shalt  }
0x66: {  	_ =	shalt  }
0x67: {  	_ =	shalt  }
0x68: {  	_ =	shalt  }
0x69: {  	_ =	shalt  }
0x6a: {  	_ =	shalt  }
0x6b: {  	_ =	shalt  }
0x6c: {  	_ =	shalt  }
0x6d: {  	_ =	shalt  }
0x6e: {  	_ =	shalt  }
0x6f: {  	_ =	shalt  }
0x70: {  	_ =	shalt  }
0x71: {  	_ =	shalt  }
0x72: {  	_ =	shalt  }
0x73: {  	_ =	shalt  }
0x74: {  	_ =	shalt  }
0x75: {  	_ =	shalt  }
0x76: {  	_ =	shalt  }
0x77: {  	_ =	shalt  }
0x78: {  	_ =	shalt  }
0x79: {  	_ =	shalt  }
0x7a: {  	_ =	shalt  }
0x7b: {  	_ =	shalt  }
0x7c: {  	_ =	shalt  }
0x7d: {  	_ =	shalt  }
0x7e: {  	_ =	shalt  }
0x7f: {  	_ =	shalt  }
0x80: {  	_ =	shalt  }
0x81: {  	_ =	shalt  }
0x82: {  	_ =	shalt  }
0x83: {  	_ =	shalt  }
0x84: {  	_ =	shalt  }
0x85: {  	_ =	shalt  }
0x86: {  	_ =	shalt  }
0x87: {  	_ =	shalt  }
.Lfunc_end0:
.L_simem_size_0:
called_computation_lowered:
.L_overlay_start_0:
0x88: {  	s2 =	sld [smem:$0x3FD9]  }
0x89: {  	s3 =	sld [smem:$0x3FFE];
	_ =	sdelay $0x1  }
0x8a: {  	s1 =	srdreg.scid  }
0x8b: {  	s0 =	sand.u32 $0x1, s1  }
0x8c: {  	s17 =	sshll.u32 s0, $0xA;
	s2 =	sadd.s32 s3, s2  }
0x8d: {  	s2 =	sadd.s32 s2, s17  }
0x8e: {  	[smem:$0x3FBC] =	sst s2  }
0x8f: {  	_ = 	snop  }
0x90: {  	s2 =	sld [smem:$0x3FD0];
	(tm) =	ssettm $0x1  }
0x91: {  	s18 =	sld [smem:$0x3FFB];
	_ =	sdelay $0x3  }
0x92: {  	_ =	strace s18  }
0x93: {  	s3 =	sld [smem:$0x3FFC];
	_ =	sdelay $0x3  }
0x94: {  	_ =	strace s3  }
0x95: {  	s3 =	sld [smem:$0x3FFD];
	_ =	sdelay $0x3  }
0x96: {  	_ =	strace s3  }
0x97: {  	_ =	strace $0x8FFFFFFF  }
0x98: {  	s19 =	sld [smem:$0x3FDB];
	_ =	sdelay $0x1  }
0x99: {  	s4 =	simm.s32 $_scs_section_size  }
0x9a: {  	s5 =	simm.s32 $_size__tile_overlayer_lowered;
	s6 =	simm.s32 $_tile_overlayer_lowered  }
0x9b: {  	s22 =	simm.s32 $0x1BFF;
	s21 =	sshll.u32 s6, $0x1;
	s3 =	sadd.s32 s4, s19  }
0x9c: {  	s7 =	simm.s32 $0x0;
	s20 =	sshll.u32 s5, $0x1;
	s5 =	sadd.s32 s21, s3  }
0x9d: {  	[timem:s7], [sflag:s22] =	dma.local [hbm:s5], s20  }
0x9e: {  	_ =	swait.ge [sflag:s22], s20  }
0x9f: {  	s4 =	ssub.s32 $0x0, s20;
	[sflag:s22] =	ssyncset.done $0x0  }
0xa0: {  	[sflag:s22] =	ssyncadd.s32 s4;
	_ =	sdelay $0x1  }
0xa1: {  	s23 =	simm.s32 $0x1B8B  }
0xa2: {  	_ =	swait.ge [sflag:s23], $0x1  }
0xa3: {  	[sflag:s23] =	ssyncset.done $0x0  }
0xa4: {  	s25 =	simm.s32 $0x1B8E;
	s24 =	sld [smem:$0x3FFE];
	[sflag:s23] =	ssyncadd.s32 $0xFFFFFFFF  }
0xa5: {  	s26 =	simm.s32 $execute0_lowered;
	[smem:$0x3FD2] =	sst s25  }
0xa6: {  	s5 =	sshll.u32 s26, $0x1;
	_ =	strace $0x80000046;
	[dreg:$0x1] =	wrdreg $0xFFFFFFFF  }
0xa7: {  	s28 =	simm.s32 $_size_execute0_lowered;
	s3 =	sadd.s32 s3, s5;
	[dreg:$0x0] =	wrdreg $0x0  }
0xa8: {  	s5 =	sshll.u32 s28, $0x1;
	[dreg:$0x2] =	wrdreg s3  }
0xa9: {  	[dreg:$0x3] =	wrdreg s5  }
0xaa: {  	[dreg:$0x4] =	wrdreg $0xC0  }
0xab: {  	_ =	task [dreg:s7], $0x5FFFF  }
0xac: {  	[dreg:$0x1] =	wrdreg $0xFFFFFFFF  }
0xad: {  	[dreg:$0x0] =	wrdreg $0x60  }
0xae: {  	[dreg:$0x2] =	wrdreg s2  }
0xaf: {  	[dreg:$0x3] =	wrdreg s24  }
0xb0: {  	[dreg:$0x4] =	wrdreg $0x2FD00  }
0xb1: {  	[dreg:$0x5] =	wrdreg $0x9  }
0xb2: {  	_ =	task.clear_ibuf [dreg:s7], $0x6FFFF;
	_ =	strace $0x90000046  }
0xb3: {  	s29 =	simm.s32 $0x9;
	_ =	strace $0x80000048  }
0xb4: {  	_ =	swait.ge [sflag:s29], $0x1  }
0xb5: {  	[sflag:s29] =	ssyncadd.s32 $0xFFFFFFFF  }
0xb6: {  	_ =	strace $0x90000048  }
0xb7: {  	_ =	sfence  }
0xb8: {  	s30 =	sld [smem:$0x0];
	_ =	sdelay $0x2  }
0xb9: {  	s31 =	sshll.u32 s1, $0xD;
	s1 =	sshrl.u32 s1, $0x2  }
0xba: {  	s3 =	sand.u32 $0x4000, s31;
	s1 =	sadd.s32 s1, s30  }
0xbb: {  	s0 =	sor.u32 s3, s0;
	s1 =	sshll.u32 s1, $0x11  }
0xbc: {  	s0 =	sor.u32 s1, s0  }
0xbd: {  	s0 =	sadd.s32 $0x8F2B, s0  }
0xbe: {  	[sflag:s0] =	ssyncadd.remote.s32 $0x1  }
0xbf: {  	_ =	sfence.sel $0xFFFF  }
0xc0: {  	[dreg:$0x0] =	wrdreg $0xFFFFFFFF;
	(pc) =	sbr.abs _section_cstart, $3  }
0xc1: {  	[dreg:$0x1] =	wrdreg $0xFFFFFFFF  }
0xc2: {  	_ =	task.clear_ibuf [dreg:s7], $0x2FFFF;
	_ =	strace $0x9FFFFFFF  }
0xc3: {  	(tm) =	ssettm $0x7FFFFFFF  }
tec
execute0_lowered:
.L_overlay_start_1:
0x0: {  	(tag) =	ssettag $0x1  }
0x1: {  	s6 =	rddreg [dreg:$0x0]  }
0x2: {  	s7 =	rddreg [dreg:$0x1]  }
0x3: {  	s2 =	rddreg [dreg:$0x2]  }
0x4: {  	s0 =	rddreg [dreg:$0x3];
	s3 =	simm.s32 $0x0;
	s4 =	srdreg.scid  }
0x5: {  	s1 =	stileid.u32;
	s13 =	simm.s32 $0x7D;
	s14 =	simm.s32 $0x2  }
0x6: {  	s16 =	simm.s32 $0x0;
	[smem:$0x7FF] =	sst s3;
	s8 =	sand.u32 $0x1, s4  }
0x7: {  	s9 =	smul.u32 $0x2710, s1;
	s4 =	sadd.s32 $0x16E00, s7;
	s5 =	sadd.s32 $0x16C00, s7  }
0x8: {  	s15 =	sshll.u32 s1, $0x6;
	s10 =	smul.u32 $0x27100, s8;
	s11 =	sshll.u32 s8, $0x4  }
0x9: {  	_ =	strace $0x80000047;
	s8 =	ssub.s32 $0x2, s8;
	s11 =	sor.u32 s1, s11  }
0xa: {  	s12 =	sshrl.u32 s8, $0x1;
	s31 =	sadd.s32 s9, s2;
	s10 =	sadd.s32 s9, s10  }
0xb: {  	s11 =	smul.u32 $0x500, s11;
	s12 =	ssub.s32 s8, s12;
	s10 =	sshrl.u32 s10, $0x3  }
0xc: {  	s9 =	smax.u32 s12, $0x1;
	s12 =	simm.s32 $0x1;
	s10 =	sadd.s32 s10, s7  }
0xd: {  	s6 =	sadd.s32 s6, s11;
	s7 =	sor.u32 $0x1C01, s15;
	s11 =	simm.s32 $0x2800  }
0xe: {  	s15 =	sor.u32 $0x1C02, s15;
	s8 =	sadd.s32 $0x17400, s10;
	s10 =	sshrl.u32 s31, $0x3  }
.LBB2_1:
0xf: {  	[tilespmem:s3], [sflag:$0x1] =	stream.linear.gather [hbm4b:s6+s3], $0x2800, $0x38;
	[tilespmem:$0x56E0] =	vst v63  }
0x10: {  	[spmem:s10], [sflag:s7] =	dma.local [hbm:s4], $0x4E2  }
0x11: {  	[tilespmem:s11], [sflag:$0x1] =	stream.linear.gather [hbm4b:s5+s3], $0x7D0, $0x38;
	[tilespmem:$0x56E0] =	vst v63  }
0x12: {  	_ =	swait.ge [sflag:s12], $0x2800  }
0x13: {  	[sflag:s12] =	ssyncset.done $0x0  }
0x14: {  	[sflag:s12] =	ssyncadd.s32 $0xFFFFD800  }
0x15: {  	_ =	swait.ge [sflag:s12], $0x4E2  }
0x16: {  	[sflag:s12] =	ssyncset.done $0x0  }
0x17: {  	[sflag:s12] =	ssyncadd.s32 $0xFFFFFB1E  }
0x18: {  	_ =	swait.ge [sflag:s12], $0x7D0  }
0x19: {  	[sflag:s12] =	ssyncset.done $0x0  }
0x1a: {  	[sflag:s12] =	ssyncadd.s32 $0xFFFFF830  }
0x1b: {  	s17 =	simm.s32 $0x0;
	[bflag:$0x0] =	sbarrier.arrive $0xFFFF  }
0x1c: {  	[spmem:s2] =	stream.indirect.scatter.add.f32 [tilespmem:s11], [sflag:$0x2], $0x10, s17, s13, $0xb8;
	[tilespmem:$0x56E0] =	vst v63  }
0x1d: {  	_ =	swait.ge [sflag:s14], $0x7D0  }
0x1e: {  	s17 =	simm.s32 $0x200;
	[sflag:s14] =	ssyncset.done $0x0  }
.LBB2_2:
0x1f: {  	s18 =	sshra.s32 s17, $0x2;
	[sflag:s14] =	ssyncadd.s32 $0xFFFFF830;
	p0 =	sne.s32 s17, $0x9E00  }
0x20: {  	[spmem:s2] =	stream.indirect.scatter.add.f32 [tilespmem:s11], [sflag:$0x2], $0x10, s18, s13, $0xb8;
	[tilespmem:$0x56E0] =	vst v63  }
.Ltmp0:
0x21: {  	_ = 	snop;
	(pc) =	sbr.rel @p0 .LBB2_2-.Ltmp0, $4  }
0x22: {  	_ = 	snop  }
0x23: {  	s17 =	sadd.s32 $0x200, s17  }
0x24: {  	_ =	swait.ge [sflag:s14], $0x7D0  }
0x25: {  	[sflag:s14] =	ssyncset.done $0x0  }
0x26: {  	s16 =	sadd.s32 $0x1, s16  }
0x27: {  	[sflag:s14] =	ssyncadd.s32 $0xFFFFF830;
	p0 =	sne.s32 s16, s9  }
.Ltmp1:
0x28: {  	[bflag:$0x0] =	sbarrier.arrive $0xFFFF;
	(pc) =	sbr.rel @p0 .LBB2_1-.Ltmp1, $4  }
0x29: {  	[hbm:s8], [sflag:s15] =	dma.local [spmem:s10], $0x4E2  }
0x2a: {  	_ =	swait.ge [sflag:s14], $0x4E2  }
0x2b: {  	[sflag:s14] =	ssyncset.done $0x0  }
0x2c: {  	[sflag:s14] =	ssyncadd.s32 $0xFFFFFB1E  }
0x2d: {  	_ =	sfence.sel $0x180000  }
0x2e: {  	[bflag:$0x0] =	sbarrier.arrive $0xFFFF  }
0x2f: {  	p0 =	sne.s32 s1, $0x0;
	_ =	strace $0x90000047  }
0x30: {  	s0 =	sadd.s32 @!p0 $0x100000, s0;
	[bflag:$0x2] =	sbarrier.arrive $0xFFFF  }
0x31: {  	[sflag:s0] =	ssyncadd.tile.s32 @!p0 $0x1;
	_ =	shalt  }
.Lfunc_end2:
_tile_overlayer_lowered:
.L_overlay_start_2:
0x32: {  	(tag) =	ssettag $0x2  }
0x33: {  	s0 =	rddreg [dreg:$0x0];
	s2 =	stileid.u32  }
0x34: {  	s1 =	rddreg [dreg:$0x1];
	p0 =	sne.s32 s2, $0x0  }
0x35: {  	s3 =	rddreg [dreg:$0x2];
	[bflag:$0x3] =	sbarrier.arrive $0xFFFF;
	s2 =	simm.s32 @!p0 $0x1C02  }
0x36: {  	[timem:s3], [sflag:s2] =	dma.local @!p0 [hbm:s0], s1  }
0x37: {  	s0 =	simm.s32 @!p0 $0x2  }
0x38: {  	_ =	swait.ge @!p0 [sflag:s0], s1  }
0x39: {  	s1 =	ssub.s32 @!p0 $0x0, s1;
	[sflag:s0] =	ssyncset.done @!p0 $0x0  }
0x3a: {  	[sflag:s0] =	ssyncadd.s32 @!p0 s1  }
0x3b: {  	[bflag:$0x3] =	sbarrier.arrive $0xFFFF  }
0x3c: {  	_ =	shalt  }

</sc_bundles>
